<compile_context>
chip_gen: v7x
topology: tpu7x:2x2x1
jax: 0.10.2.dev20260603
libtpu: 0.0.44.dev20260713+nightly
codegen_flags: <defaults>
</compile_context>

<pallas_src>
import functools

import jax
import jax.numpy as jnp
from jax import lax
from jax.experimental import pallas as pl
from jax.experimental.pallas import tpu as pltpu
from jax.experimental.pallas import tpu_sc as plsc

_W_REG = 3.0
_K = 4
_PP = 5120
_TABW = 32



def _cost_kernel(scal_ref, predst_ref, tgt_ref, tgtt_ref, masks_ref, tab_ref):
    wm1 = scal_ref[0]
    hm1 = scal_ref[1]
    wf = scal_ref[2]
    T = tgt_ref.shape[1]
    P = predst_ref.shape[2]

    ppts = predst_ref[0, 6:, :] * wm1
    sx_p = predst_ref[0, 2:3, :] * hm1
    sy_p = predst_ref[0, 3:4, :] * wm1
    th_p = predst_ref[0, 4:5, :]
    logit0 = predst_ref[0, 0:1, :]
    logit1 = predst_ref[0, 1:2, :]

    tsx = tgt_ref[0, :, 2:3] * hm1
    tsy = tgt_ref[0, :, 3:4] * wm1
    tth = tgt_ref[0, :, 4:5]
    gt0 = tgt_ref[0, :, 1:2].astype(jnp.int32) == 0
    tpts_bt = tgt_ref[0, :, 6:] * wm1
    valid_bt = (tpts_bt >= 0.0) & (tpts_bt < wf)
    nvalid = jnp.sum(valid_bt.astype(jnp.float32), axis=1, keepdims=True)

    tpts_T = tgtt_ref[0, 6:, :] * wm1
    valid_T = ((tpts_T >= 0.0) & (tpts_T < wf)).astype(jnp.float32)

    rows = []
    for t in range(T):
        d = jnp.abs(ppts - tpts_T[:, t:t + 1]) * valid_T[:, t:t + 1]
        rows.append(jnp.sum(d, axis=0, keepdims=True))
    S = jnp.concatenate(rows, axis=0)

    lens = jnp.maximum(nvalid, 1.0)
    dist = S / lens
    dmax = jnp.maximum(jnp.max(dist), 1e-8)
    ds = 1.0 - dist / dmax + 0.01

    sd = jnp.sqrt(jnp.maximum((sx_p - tsx) ** 2 + (sy_p - tsy) ** 2, 0.0))
    smax = jnp.maximum(jnp.max(sd), 1e-8)
    ss = 1.0 - sd / smax + 0.01

    td = jnp.abs(th_p - tth) * 180.0
    tmax = jnp.maximum(jnp.max(td), 1e-8)
    ts = 1.0 - td / tmax + 0.01

    reg = (jnp.maximum(ds, 0.001) * jnp.maximum(ss, 0.001)
           * jnp.maximum(ts, 0.001))

    def focal(lg):
        p = jax.nn.sigmoid(lg)
        neg = -jnp.log(1.0 - p + 1e-12) * 0.75 * (p * p)
        pos = -jnp.log(p + 1e-12) * 0.25 * ((1.0 - p) * (1.0 - p))
        return pos - neg
    cls_cost = jnp.where(gt0, focal(logit0), focal(logit1))

    cost = -(reg * reg) * _W_REG + cls_cost
    vmask = masks_ref[0] > 0.0
    cost = jnp.where(vmask, cost, 1e8)

    liou = (30.0 * nvalid - S) / (30.0 * nvalid + S + 1e-9)
    liou = jnp.where(vmask, liou, 0.0)

    iota_p = lax.broadcasted_iota(jnp.int32, (1, P), 1).astype(jnp.float32)
    big_p = jnp.float32(P)

    a = liou
    sum_top = jnp.zeros((T, 1), jnp.float32)
    for _ in range(_K):
        mx = jnp.max(a, axis=1, keepdims=True)
        sum_top = sum_top + mx
        fid = jnp.min(jnp.where(a >= mx, iota_p, big_p), axis=1, keepdims=True)
        a = jnp.where(iota_p == fid, -3e38, a)
    ks = jnp.maximum(sum_top.astype(jnp.int32), 1)
    ks = jnp.where(vmask, ks, 0)

    c = cost
    idxs, vals = [], []
    for _ in range(_K):
        mn = jnp.min(c, axis=1, keepdims=True)
        fid = jnp.min(jnp.where(c <= mn, iota_p, big_p), axis=1, keepdims=True)
        idxs.append(fid)
        vals.append(mn)
        c = jnp.where(iota_p == fid, 3e38, c)

    il = lax.broadcasted_iota(jnp.int32, (1, _TABW), 1)
    tab = jnp.zeros((T, _TABW), jnp.float32)
    for r in range(_K):
        tab = jnp.where(il == r, idxs[r], tab)
        tab = jnp.where(il == _K + r, vals[r], tab)
    tab = jnp.where(il == 24, ks.astype(jnp.float32), tab)
    tab_ref[0] = tab



def _sc_assign(tab_hbm, neg1_hbm, out_hbm, loc, rowbuf, outv):
    c = lax.axis_index("c")
    s = lax.axis_index("s")
    T = 24
    lanei = lax.broadcasted_iota(jnp.int32, (16,), 0)

    @pl.when(s == 0)
    def _():
        pltpu.sync_copy(tab_hbm.at[c], loc)
        pltpu.sync_copy(neg1_hbm, outv)

        jvec = lanei % _K
        colc = _K + jvec
        col24 = jnp.full((16,), 24, jnp.int32)
        for t in range(T):
            rowt = jnp.full((16,), t, jnp.int32)
            p_t = plsc.load_gather(loc, [rowt, jvec]).astype(jnp.int32)
            c_t = plsc.load_gather(loc, [rowt, colc])
            ks_t = plsc.load_gather(loc, [rowt, col24])
            g_c = plsc.load_gather(rowbuf, [p_t])
            g_t = plsc.load_gather(outv, [p_t])
            better = ((lanei < _K) & (lanei.astype(jnp.float32) < ks_t)
                      & ((g_t < 0) | (c_t < g_c)))
            plsc.store_scatter(rowbuf, [p_t], c_t, mask=better)
            plsc.store_scatter(outv, [p_t], rowt, mask=better)

        pltpu.sync_copy(outv, out_hbm.at[c])



def kernel(preds, targets, masks, img_w, img_h):
    B, P, D = preds.shape
    T = targets.shape[1]
    wf = jnp.asarray(img_w, jnp.float32)
    hf = jnp.asarray(img_h, jnp.float32)
    scal = jnp.stack([wf - 1.0, hf - 1.0, wf])

    predst = jnp.transpose(preds, (0, 2, 1))
    tgtt = jnp.transpose(targets, (0, 2, 1))
    masks3 = masks.reshape(B, T, 1)

    tab = pl.pallas_call(
        _cost_kernel,
        grid=(B,),
        in_specs=[
            pl.BlockSpec(memory_space=pltpu.SMEM),
            pl.BlockSpec((1, D, P), lambda b: (b, 0, 0)),
            pl.BlockSpec((1, T, D), lambda b: (b, 0, 0)),
            pl.BlockSpec((1, D, T), lambda b: (b, 0, 0)),
            pl.BlockSpec((1, T, 1), lambda b: (b, 0, 0)),
        ],
        out_specs=pl.BlockSpec((1, T, _TABW), lambda b: (b, 0, 0)),
        out_shape=jax.ShapeDtypeStruct((B, T, _TABW), jnp.float32),
    )(scal, predst, targets, tgtt, masks3)

    neg1 = jnp.full((_PP,), -1, jnp.int32)

    assign = pl.kernel(
        _sc_assign,
        out_type=jax.ShapeDtypeStruct((B, _PP), jnp.int32),
        mesh=plsc.VectorSubcoreMesh(core_axis_name="c", subcore_axis_name="s",
                                    num_cores=2, num_subcores=16),
        compiler_params=pltpu.CompilerParams(needs_layout_passes=False),
        scratch_types=[
            pltpu.VMEM((T, _TABW), jnp.float32),
            pltpu.VMEM((_PP,), jnp.float32),
            pltpu.VMEM((_PP,), jnp.int32),
        ],
    )(tab, neg1)

    matched = assign[:, :P]
    return (matched >= 0, matched)

# --- scband reference (transcript-rebuilt; emitter-appended) ---
"""Pipeline reference for scband-clrnet-assign-88622355185749 (READ-ONLY COPY).

The authoritative reference and input builder live on the scoring server;
editing this copy changes nothing except your own understanding.
"""

import jax, jax.numpy as jnp
import numpy as np

W_REG = 3.0

def focal_cost(cls_pred, gt_labels, alpha=0.25, gamma=2.0, eps=1e-12):
    p = jax.nn.sigmoid(cls_pred)
    neg = -jnp.log(1.0 - p + eps) * (1.0 - alpha) * jnp.power(p, gamma)
    pos = -jnp.log(p + eps) * alpha * jnp.power(1.0 - p, gamma)
    B, P, C = cls_pred.shape
    T = gt_labels.shape[1]
    gl = jnp.broadcast_to(gt_labels[:, None, :], (B, P, T))
    return jnp.take_along_axis(pos, gl, axis=2) - jnp.take_along_axis(neg, gl, axis=2)

def line_iou(pred, target, img_w, length=15.0):
    # batched non-aligned CLRNet line IoU: pred [B,P,O], target [B,T,O] -> [B,P,T]
    px1 = pred - length
    px2 = pred + length
    tx1 = target - length
    tx2 = target + length
    invalid = (target < 0) | (target >= img_w)
    ovr = jnp.minimum(px2[:, :, None, :], tx2[:, None, :, :]) - jnp.maximum(px1[:, :, None, :], tx1[:, None, :, :])
    union = jnp.maximum(px2[:, :, None, :], tx2[:, None, :, :]) - jnp.minimum(px1[:, :, None, :], tx1[:, None, :, :])
    inv = invalid[:, None, :, :]
    ovr = jnp.where(inv, 0.0, ovr)
    union = jnp.where(inv, 0.0, union)
    return ovr.sum(axis=-1) / (union.sum(axis=-1) + 1e-9)

def _forward(preds, targets, masks, img_w, img_h):
    B, P, _ = preds.shape
    T = targets.shape[1]
    preds_abs = preds.at[..., 3].multiply(img_w - 1.0)
    preds_abs = preds_abs.at[..., 6:].multiply(img_w - 1.0)
    targets_abs = targets.at[..., 3].multiply(img_w - 1.0)
    targets_abs = targets_abs.at[..., 6:].multiply(img_w - 1.0)
    ppts = preds_abs[..., 6:]
    tpts = targets_abs[..., 6:]
    target_valid_mask = (tpts >= 0) & (tpts < img_w)
    combined_mask = target_valid_mask[:, None, :, :]
    combined_len = jnp.clip(combined_mask.sum(axis=3).astype(jnp.float32), 1.0, None)
    diff = jnp.abs(ppts[:, :, None, :] - tpts[:, None, :, :]) * combined_mask
    distances = diff.sum(axis=3) / combined_len
    dist_max = jnp.clip(distances.max(axis=(1, 2), keepdims=True), 1e-8, None)
    distances_score = 1.0 - distances / dist_max + 0.01
    cur_pred_start = preds_abs[..., 2:4].at[..., 0].multiply(img_h - 1.0)
    cur_target_start = targets_abs[..., 2:4].at[..., 0].multiply(img_h - 1.0)
    d2 = jnp.sum((cur_pred_start[:, :, None, :] - cur_target_start[:, None, :, :]) ** 2, axis=-1)
    start_dists = jnp.sqrt(jnp.maximum(d2, 0.0))
    start_max = jnp.clip(start_dists.max(axis=(1, 2), keepdims=True), 1e-8, None)
    start_xys_score = 1.0 - start_dists / start_max + 0.01
    theta_dists = jnp.abs(preds_abs[..., 4][:, :, None] - targets_abs[..., 4][:, None, :]) * 180.0
    theta_max = jnp.clip(theta_dists.max(axis=(1, 2), keepdims=True), 1e-8, None)
    theta_score = 1.0 - theta_dists / theta_max + 0.01
    gt_labels = targets_abs[..., 1].astype(jnp.int32)
    cls_cost = focal_cost(preds_abs[..., :2], gt_labels)
    reg_score = jnp.clip(distances_score, 0.001, None) * jnp.clip(start_xys_score, 0.001, None) * jnp.clip(theta_score, 0.001, None)
    total_cost = -(reg_score ** 2) * W_REG + cls_cost * 1.0
    valid = jnp.broadcast_to(masks.astype(bool)[:, None, :], (B, P, T))
    total_cost = jnp.where(valid, total_cost, 1e8)
    l_iou = line_iou(ppts, tpts, img_w)
    l_iou = jnp.nan_to_num(l_iou, nan=0.0)
    l_iou = jnp.where(valid, l_iou, 0.0)
    n_candidate_k = min(4, P)
    topk_ious, _ = jax.lax.top_k(jnp.transpose(l_iou, (0, 2, 1)), n_candidate_k)
    dynamic_ks = jnp.clip(topk_ious.sum(axis=2).astype(jnp.int32), 1, None)
    dynamic_ks = jnp.where(masks.astype(bool), dynamic_ks, 0)
    neg_cost_t = -jnp.transpose(total_cost, (0, 2, 1))
    _, topk_idx = jax.lax.top_k(neg_cost_t, n_candidate_k)  # [B,T,k], smallest costs
    sel = (jnp.arange(n_candidate_k)[None, None, :] < dynamic_ks[:, :, None]).astype(jnp.float32)
    onehot = jax.nn.one_hot(topk_idx, P, dtype=jnp.float32)  # [B,T,k,P]
    matching_bt = (onehot * sel[..., None]).sum(axis=2)  # [B,T,P]
    matching_matrix = jnp.transpose(matching_bt, (0, 2, 1))  # [B,P,T]
    matched_counts = matching_matrix.sum(axis=2)
    conflict_mask = matched_counts > 1
    masked_cost = jnp.where(matching_matrix == 0, jnp.inf, total_cost)
    best_target_idx = jnp.argmin(masked_cost, axis=2)
    new_matches = jax.nn.one_hot(best_target_idx, T, dtype=jnp.float32)
    matching_matrix = jnp.where(conflict_mask[..., None], new_matches, matching_matrix)
    has_match = matching_matrix.sum(axis=2) > 0.5
    target_indices = jnp.argmax(matching_matrix, axis=2)
    matched = jnp.where(has_match, target_indices, -1)
    return matched

def reference(preds, targets, masks, img_w, img_h):
    matched = _forward(preds, targets, masks, img_w, img_h)
    assigned_mask = matched >= 0
    return (assigned_mask, matched)

def setup_inputs(seed: int = 0):
    key = jax.random.key(seed)
    k1, k2 = jax.random.split(key)
    B, P, T, D = 2, 5000, 24, 78
    preds = jax.random.uniform(k1, (B, P, D), dtype=jnp.float32)
    targets = jax.random.uniform(k2, (B, T, D), dtype=jnp.float32)
    masks = jnp.ones((B, T), dtype=jnp.float32)
    return {"preds": preds, "targets": targets, "masks": masks, "img_w": 800, "img_h": 320}

if __name__ == "__main__":
    import jax
    _d = setup_inputs()
    print(jax.jit(kernel)(*tuple(_d.values())))

</pallas_src>

<mosaic_0001>
#map = affine_map<(d0, d1) -> (0, 0, 0)>
#map1 = affine_map<(d0, d1) -> (0)>
#map2 = affine_map<(d0, d1) -> (0, 0)>
module attributes {stable_mosaic.version = 14 : i64} {
  func.func @_sc_assign(%arg0: i32, %arg1: i32, %arg2: memref<2x24x32xf32, #tpu.memory_space<hbm>>, %arg3: memref<5120xi32, #tpu.memory_space<hbm>>, %arg4: memref<2x5120xi32, #tpu.memory_space<hbm>>, %arg5: memref<24x32xf32, #tpu.memory_space<vmem>>, %arg6: memref<5120xf32, #tpu.memory_space<vmem>>, %arg7: memref<5120xi32, #tpu.memory_space<vmem>>) attributes {dimension_semantics = [#tpu.dimension_semantics<core_parallel>, #tpu.dimension_semantics<subcore_parallel>], iteration_bounds = array<i64: 2, 16>, scalar_prefetch = 0 : i64, scratch_operands = 3 : i64, tpu.core_type = #tpu.core_type<sc_vector_subcore>, window_params = [{transform_indices = #map}, {transform_indices = #map1}, {transform_indices = #map2}]} {
    %iota3A = tpu.iota {dimensions = array<i32: 0>} : vector<16xi32>
    %eq3A = arith.constant 0 : i32
    %eq3A_0 = arith.cmpi eq, %arg1, %eq3A : i32
    %convert_element_type3A = arith.extui %eq3A_0 : i1 to i32
    %cond3A = arith.constant 0 : i32
    %cond3A_1 = arith.cmpi ne, %convert_element_type3A, %cond3A : i32
    scf.if %cond3A_1 {
      "tpu.region"() ({
        %run_scoped3A = tpu.sem_alloc : memref<!tpu.dma_semaphore, #tpu.memory_space<semaphore_mem>>
        %dma_start3A = arith.constant 0 : i32
        %dma_start3A_499 = arith.constant 0 : i32
        %dma_start3A_500 = tpu.memref_slice %arg2[%arg0, %dma_start3A, %dma_start3A_499] : memref<2x24x32xf32, #tpu.memory_space<hbm>> -> memref<1x24x32xf32, #tpu.memory_space<hbm>>
        %dma_start3A_501 = tpu.memref_squeeze %dma_start3A_500 : memref<1x24x32xf32, #tpu.memory_space<hbm>> -> memref<24x32xf32, #tpu.memory_space<hbm>>
        %dma_start3A_502 = arith.constant 0 : i32
        %dma_start3A_503 = arith.constant 0 : i32
        %dma_start3A_504 = tpu.memref_slice %arg2[%arg0, %dma_start3A_502, %dma_start3A_503] : memref<2x24x32xf32, #tpu.memory_space<hbm>> -> memref<1x24x32xf32, #tpu.memory_space<hbm>>
        %dma_start3A_505 = tpu.memref_squeeze %dma_start3A_504 : memref<1x24x32xf32, #tpu.memory_space<hbm>> -> memref<24x32xf32, #tpu.memory_space<hbm>>
        tpu.enqueue_dma source(%dma_start3A_505 : memref<24x32xf32, #tpu.memory_space<hbm>>) target(%arg5 : memref<24x32xf32, #tpu.memory_space<vmem>>) target_semaphore(%run_scoped3A : memref<!tpu.dma_semaphore, #tpu.memory_space<semaphore_mem>>)
        %dma_wait3A = arith.constant 0 : i32
        %dma_wait3A_506 = arith.constant 0 : i32
        %dma_wait3A_507 = tpu.memref_slice %arg2[%arg0, %dma_wait3A, %dma_wait3A_506] : memref<2x24x32xf32, #tpu.memory_space<hbm>> -> memref<1x24x32xf32, #tpu.memory_space<hbm>>
        %dma_wait3A_508 = tpu.memref_squeeze %dma_wait3A_507 : memref<1x24x32xf32, #tpu.memory_space<hbm>> -> memref<24x32xf32, #tpu.memory_space<hbm>>
        %dma_wait3A_509 = arith.constant 0 : i32
        %dma_wait3A_510 = arith.constant 0 : i32
        %dma_wait3A_511 = tpu.memref_slice %arg2[%arg0, %dma_wait3A_509, %dma_wait3A_510] : memref<2x24x32xf32, #tpu.memory_space<hbm>> -> memref<1x24x32xf32, #tpu.memory_space<hbm>>
        %dma_wait3A_512 = tpu.memref_squeeze %dma_wait3A_511 : memref<1x24x32xf32, #tpu.memory_space<hbm>> -> memref<24x32xf32, #tpu.memory_space<hbm>>
        tpu.wait_dma2 semaphore(%run_scoped3A : memref<!tpu.dma_semaphore, #tpu.memory_space<semaphore_mem>>) src(%dma_wait3A_512 : memref<24x32xf32, #tpu.memory_space<hbm>>) dst(%arg5 : memref<24x32xf32, #tpu.memory_space<vmem>>)
        tpu.yield
      }) : () -> ()
      "tpu.region"() ({
        %run_scoped3A = tpu.sem_alloc : memref<!tpu.dma_semaphore, #tpu.memory_space<semaphore_mem>>
        tpu.enqueue_dma source(%arg3 : memref<5120xi32, #tpu.memory_space<hbm>>) target(%arg7 : memref<5120xi32, #tpu.memory_space<vmem>>) target_semaphore(%run_scoped3A : memref<!tpu.dma_semaphore, #tpu.memory_space<semaphore_mem>>)
        tpu.wait_dma2 semaphore(%run_scoped3A : memref<!tpu.dma_semaphore, #tpu.memory_space<semaphore_mem>>) src(%arg3 : memref<5120xi32, #tpu.memory_space<hbm>>) dst(%arg7 : memref<5120xi32, #tpu.memory_space<vmem>>)
        tpu.yield
      }) : () -> ()
      %jit3A = arith.constant 4 : i32
      %eq3A_2 = arith.constant 0 : i32
      %eq3A_3 = arith.cmpi eq, %jit3A, %eq3A_2 : i32
      %jit3A_4 = arith.constant 1 : i32
      %select_n3A = arith.select %eq3A_3, %jit3A_4, %jit3A : i32
      %rem3A = vector.broadcast %select_n3A : i32 to vector<16xi32>
      %rem3A_5 = arith.remsi %iota3A, %rem3A : vector<16xi32>
      %ne3A = arith.constant 0 : i32
      %ne3A_6 = vector.broadcast %ne3A : i32 to vector<16xi32>
      %ne3A_7 = arith.cmpi ne, %rem3A_5, %ne3A_6 : vector<16xi32>
      %lt3A = arith.constant 0 : i32
      %lt3A_8 = vector.broadcast %lt3A : i32 to vector<16xi32>
      %lt3A_9 = arith.cmpi slt, %rem3A_5, %lt3A_8 : vector<16xi32>
      %lt3A_10 = arith.constant 0 : i32
      %lt3A_11 = arith.cmpi slt, %select_n3A, %lt3A_10 : i32
      %ne3A_12 = vector.broadcast %lt3A_11 : i1 to vector<16xi1>
      %ne3A_13 = vector.broadcast %ne3A_12 : vector<16xi1> to vector<16xi1>
      %ne3A_14 = arith.xori %lt3A_9, %ne3A_13 : vector<16xi1>
      %and3A = arith.andi %ne3A_14, %ne3A_7 : vector<16xi1>
      %add3A = vector.broadcast %select_n3A : i32 to vector<16xi32>
      %add3A_15 = arith.addi %rem3A_5, %add3A : vector<16xi32>
      %select_n3A_16 = arith.select %and3A, %add3A_15, %rem3A_5 : vector<16xi1>, vector<16xi32>
      %add3A_17 = arith.constant 4 : i32
      %add3A_18 = vector.broadcast %add3A_17 : i32 to vector<16xi32>
      %add3A_19 = arith.addi %add3A_18, %select_n3A_16 : vector<16xi32>
      %broadcast_in_dim3A = arith.constant 24 : i32
      %broadcast_in_dim3A_20 = vector.broadcast %broadcast_in_dim3A : i32 to vector<16xi32>
      %broadcast_in_dim3A_21 = arith.constant 0 : i32
      %broadcast_in_dim3A_22 = vector.broadcast %broadcast_in_dim3A_21 : i32 to vector<16xi32>
      %gather3A = tpu.vector_load_idx %arg5[%broadcast_in_dim3A_22, %select_n3A_16] : memref<24x32xf32, #tpu.memory_space<vmem>>[vector<16xi32>, vector<16xi32>], vector<16xf32>,
      %convert_element_type3A_23 = arith.fptosi %gather3A : vector<16xf32> to vector<16xi32>
      %gather3A_24 = tpu.vector_load_idx %arg5[%broadcast_in_dim3A_22, %add3A_19] : memref<24x32xf32, #tpu.memory_space<vmem>>[vector<16xi32>, vector<16xi32>], vector<16xf32>,
      %gather3A_25 = tpu.vector_load_idx %arg5[%broadcast_in_dim3A_22, %broadcast_in_dim3A_20] : memref<24x32xf32, #tpu.memory_space<vmem>>[vector<16xi32>, vector<16xi32>], vector<16xf32>,
      %gather3A_26 = tpu.vector_load_idx %arg6[%convert_element_type3A_23] : memref<5120xf32, #tpu.memory_space<vmem>>[vector<16xi32>], vector<16xf32>,
      %gather3A_27 = tpu.vector_load_idx %arg7[%convert_element_type3A_23] : memref<5120xi32, #tpu.memory_space<vmem>>[vector<16xi32>], vector<16xi32>,
      %lt3A_28 = arith.constant 4 : i32
      %lt3A_29 = vector.broadcast %lt3A_28 : i32 to vector<16xi32>
      %lt3A_30 = arith.cmpi slt, %iota3A, %lt3A_29 : vector<16xi32>
      %convert_element_type3A_31 = arith.sitofp %iota3A : vector<16xi32> to vector<16xf32>
      %lt3A_32 = arith.cmpf olt, %convert_element_type3A_31, %gather3A_25 : vector<16xf32>
      %and3A_33 = arith.andi %lt3A_30, %lt3A_32 : vector<16xi1>
      %lt3A_34 = arith.constant 0 : i32
      %lt3A_35 = vector.broadcast %lt3A_34 : i32 to vector<16xi32>
      %lt3A_36 = arith.cmpi slt, %gather3A_27, %lt3A_35 : vector<16xi32>
      %lt3A_37 = arith.cmpf olt, %gather3A_24, %gather3A_26 : vector<16xf32>
      %or3A = arith.ori %lt3A_36, %lt3A_37 : vector<16xi1>
      %and3A_38 = arith.andi %and3A_33, %or3A : vector<16xi1>
      tpu.vector_store_idx %arg6[%convert_element_type3A_23], %gather3A_24 masked %and3A_38 : memref<5120xf32, #tpu.memory_space<vmem>>[vector<16xi32>], vector<16xf32>, vector<16xi1>
      tpu.vector_store_idx %arg7[%convert_element_type3A_23], %broadcast_in_dim3A_22 masked %and3A_38 : memref<5120xi32, #tpu.memory_space<vmem>>[vector<16xi32>], vector<16xi32>, vector<16xi1>
      %broadcast_in_dim3A_39 = arith.constant 1 : i32
      %broadcast_in_dim3A_40 = vector.broadcast %broadcast_in_dim3A_39 : i32 to vector<16xi32>
      %gather3A_41 = tpu.vector_load_idx %arg5[%broadcast_in_dim3A_40, %select_n3A_16] : memref<24x32xf32, #tpu.memory_space<vmem>>[vector<16xi32>, vector<16xi32>], vector<16xf32>,
      %convert_element_type3A_42 = arith.fptosi %gather3A_41 : vector<16xf32> to vector<16xi32>
      %gather3A_43 = tpu.vector_load_idx %arg5[%broadcast_in_dim3A_40, %add3A_19] : memref<24x32xf32, #tpu.memory_space<vmem>>[vector<16xi32>, vector<16xi32>], vector<16xf32>,
      %gather3A_44 = tpu.vector_load_idx %arg5[%broadcast_in_dim3A_40, %broadcast_in_dim3A_20] : memref<24x32xf32, #tpu.memory_space<vmem>>[vector<16xi32>, vector<16xi32>], vector<16xf32>,
      %gather3A_45 = tpu.vector_load_idx %arg6[%convert_element_type3A_42] : memref<5120xf32, #tpu.memory_space<vmem>>[vector<16xi32>], vector<16xf32>,
      %gather3A_46 = tpu.vector_load_idx %arg7[%convert_element_type3A_42] : memref<5120xi32, #tpu.memory_space<vmem>>[vector<16xi32>], vector<16xi32>,
      %lt3A_47 = arith.constant 4 : i32
      %lt3A_48 = vector.broadcast %lt3A_47 : i32 to vector<16xi32>
      %lt3A_49 = arith.cmpi slt, %iota3A, %lt3A_48 : vector<16xi32>
      %convert_element_type3A_50 = arith.sitofp %iota3A : vector<16xi32> to vector<16xf32>
      %lt3A_51 = arith.cmpf olt, %convert_element_type3A_50, %gather3A_44 : vector<16xf32>
      %and3A_52 = arith.andi %lt3A_49, %lt3A_51 : vector<16xi1>
      %lt3A_53 = arith.constant 0 : i32
      %lt3A_54 = vector.broadcast %lt3A_53 : i32 to vector<16xi32>
      %lt3A_55 = arith.cmpi slt, %gather3A_46, %lt3A_54 : vector<16xi32>
      %lt3A_56 = arith.cmpf olt, %gather3A_43, %gather3A_45 : vector<16xf32>
      %or3A_57 = arith.ori %lt3A_55, %lt3A_56 : vector<16xi1>
      %and3A_58 = arith.andi %and3A_52, %or3A_57 : vector<16xi1>
      tpu.vector_store_idx %arg6[%convert_element_type3A_42], %gather3A_43 masked %and3A_58 : memref<5120xf32, #tpu.memory_space<vmem>>[vector<16xi32>], vector<16xf32>, vector<16xi1>
      tpu.vector_store_idx %arg7[%convert_element_type3A_42], %broadcast_in_dim3A_40 masked %and3A_58 : memref<5120xi32, #tpu.memory_space<vmem>>[vector<16xi32>], vector<16xi32>, vector<16xi1>
      %broadcast_in_dim3A_59 = arith.constant 2 : i32
      %broadcast_in_dim3A_60 = vector.broadcast %broadcast_in_dim3A_59 : i32 to vector<16xi32>
      %gather3A_61 = tpu.vector_load_idx %arg5[%broadcast_in_dim3A_60, %select_n3A_16] : memref<24x32xf32, #tpu.memory_space<vmem>>[vector<16xi32>, vector<16xi32>], vector<16xf32>,
      %convert_element_type3A_62 = arith.fptosi %gather3A_61 : vector<16xf32> to vector<16xi32>
      %gather3A_63 = tpu.vector_load_idx %arg5[%broadcast_in_dim3A_60, %add3A_19] : memref<24x32xf32, #tpu.memory_space<vmem>>[vector<16xi32>, vector<16xi32>], vector<16xf32>,
      %gather3A_64 = tpu.vector_load_idx %arg5[%broadcast_in_dim3A_60, %broadcast_in_dim3A_20] : memref<24x32xf32, #tpu.memory_space<vmem>>[vector<16xi32>, vector<16xi32>], vector<16xf32>,
      %gather3A_65 = tpu.vector_load_idx %arg6[%convert_element_type3A_62] : memref<5120xf32, #tpu.memory_space<vmem>>[vector<16xi32>], vector<16xf32>,
      %gather3A_66 = tpu.vector_load_idx %arg7[%convert_element_type3A_62] : memref<5120xi32, #tpu.memory_space<vmem>>[vector<16xi32>], vector<16xi32>,
      %lt3A_67 = arith.constant 4 : i32
      %lt3A_68 = vector.broadcast %lt3A_67 : i32 to vector<16xi32>
      %lt3A_69 = arith.cmpi slt, %iota3A, %lt3A_68 : vector<16xi32>
      %convert_element_type3A_70 = arith.sitofp %iota3A : vector<16xi32> to vector<16xf32>
      %lt3A_71 = arith.cmpf olt, %convert_element_type3A_70, %gather3A_64 : vector<16xf32>
      %and3A_72 = arith.andi %lt3A_69, %lt3A_71 : vector<16xi1>
      %lt3A_73 = arith.constant 0 : i32
      %lt3A_74 = vector.broadcast %lt3A_73 : i32 to vector<16xi32>
      %lt3A_75 = arith.cmpi slt, %gather3A_66, %lt3A_74 : vector<16xi32>
      %lt3A_76 = arith.cmpf olt, %gather3A_63, %gather3A_65 : vector<16xf32>
      %or3A_77 = arith.ori %lt3A_75, %lt3A_76 : vector<16xi1>
      %and3A_78 = arith.andi %and3A_72, %or3A_77 : vector<16xi1>
      tpu.vector_store_idx %arg6[%convert_element_type3A_62], %gather3A_63 masked %and3A_78 : memref<5120xf32, #tpu.memory_space<vmem>>[vector<16xi32>], vector<16xf32>, vector<16xi1>
      tpu.vector_store_idx %arg7[%convert_element_type3A_62], %broadcast_in_dim3A_60 masked %and3A_78 : memref<5120xi32, #tpu.memory_space<vmem>>[vector<16xi32>], vector<16xi32>, vector<16xi1>
      %broadcast_in_dim3A_79 = arith.constant 3 : i32
      %broadcast_in_dim3A_80 = vector.broadcast %broadcast_in_dim3A_79 : i32 to vector<16xi32>
      %gather3A_81 = tpu.vector_load_idx %arg5[%broadcast_in_dim3A_80, %select_n3A_16] : memref<24x32xf32, #tpu.memory_space<vmem>>[vector<16xi32>, vector<16xi32>], vector<16xf32>,
      %convert_element_type3A_82 = arith.fptosi %gather3A_81 : vector<16xf32> to vector<16xi32>
      %gather3A_83 = tpu.vector_load_idx %arg5[%broadcast_in_dim3A_80, %add3A_19] : memref<24x32xf32, #tpu.memory_space<vmem>>[vector<16xi32>, vector<16xi32>], vector<16xf32>,
      %gather3A_84 = tpu.vector_load_idx %arg5[%broadcast_in_dim3A_80, %broadcast_in_dim3A_20] : memref<24x32xf32, #tpu.memory_space<vmem>>[vector<16xi32>, vector<16xi32>], vector<16xf32>,
      %gather3A_85 = tpu.vector_load_idx %arg6[%convert_element_type3A_82] : memref<5120xf32, #tpu.memory_space<vmem>>[vector<16xi32>], vector<16xf32>,
      %gather3A_86 = tpu.vector_load_idx %arg7[%convert_element_type3A_82] : memref<5120xi32, #tpu.memory_space<vmem>>[vector<16xi32>], vector<16xi32>,
      %lt3A_87 = arith.constant 4 : i32
      %lt3A_88 = vector.broadcast %lt3A_87 : i32 to vector<16xi32>
      %lt3A_89 = arith.cmpi slt, %iota3A, %lt3A_88 : vector<16xi32>
      %convert_element_type3A_90 = arith.sitofp %iota3A : vector<16xi32> to vector<16xf32>
      %lt3A_91 = arith.cmpf olt, %convert_element_type3A_90, %gather3A_84 : vector<16xf32>
      %and3A_92 = arith.andi %lt3A_89, %lt3A_91 : vector<16xi1>
      %lt3A_93 = arith.constant 0 : i32
      %lt3A_94 = vector.broadcast %lt3A_93 : i32 to vector<16xi32>
      %lt3A_95 = arith.cmpi slt, %gather3A_86, %lt3A_94 : vector<16xi32>
      %lt3A_96 = arith.cmpf olt, %gather3A_83, %gather3A_85 : vector<16xf32>
      %or3A_97 = arith.ori %lt3A_95, %lt3A_96 : vector<16xi1>
      %and3A_98 = arith.andi %and3A_92, %or3A_97 : vector<16xi1>
      tpu.vector_store_idx %arg6[%convert_element_type3A_82], %gather3A_83 masked %and3A_98 : memref<5120xf32, #tpu.memory_space<vmem>>[vector<16xi32>], vector<16xf32>, vector<16xi1>
      tpu.vector_store_idx %arg7[%convert_element_type3A_82], %broadcast_in_dim3A_80 masked %and3A_98 : memref<5120xi32, #tpu.memory_space<vmem>>[vector<16xi32>], vector<16xi32>, vector<16xi1>
      %broadcast_in_dim3A_99 = arith.constant 4 : i32
      %broadcast_in_dim3A_100 = vector.broadcast %broadcast_in_dim3A_99 : i32 to vector<16xi32>
      %gather3A_101 = tpu.vector_load_idx %arg5[%broadcast_in_dim3A_100, %select_n3A_16] : memref<24x32xf32, #tpu.memory_space<vmem>>[vector<16xi32>, vector<16xi32>], vector<16xf32>,
      %convert_element_type3A_102 = arith.fptosi %gather3A_101 : vector<16xf32> to vector<16xi32>
      %gather3A_103 = tpu.vector_load_idx %arg5[%broadcast_in_dim3A_100, %add3A_19] : memref<24x32xf32, #tpu.memory_space<vmem>>[vector<16xi32>, vector<16xi32>], vector<16xf32>,
      %gather3A_104 = tpu.vector_load_idx %arg5[%broadcast_in_dim3A_100, %broadcast_in_dim3A_20] : memref<24x32xf32, #tpu.memory_space<vmem>>[vector<16xi32>, vector<16xi32>], vector<16xf32>,
      %gather3A_105 = tpu.vector_load_idx %arg6[%convert_element_type3A_102] : memref<5120xf32, #tpu.memory_space<vmem>>[vector<16xi32>], vector<16xf32>,
      %gather3A_106 = tpu.vector_load_idx %arg7[%convert_element_type3A_102] : memref<5120xi32, #tpu.memory_space<vmem>>[vector<16xi32>], vector<16xi32>,
      %lt3A_107 = arith.constant 4 : i32
      %lt3A_108 = vector.broadcast %lt3A_107 : i32 to vector<16xi32>
      %lt3A_109 = arith.cmpi slt, %iota3A, %lt3A_108 : vector<16xi32>
      %convert_element_type3A_110 = arith.sitofp %iota3A : vector<16xi32> to vector<16xf32>
      %lt3A_111 = arith.cmpf olt, %convert_element_type3A_110, %gather3A_104 : vector<16xf32>
      %and3A_112 = arith.andi %lt3A_109, %lt3A_111 : vector<16xi1>
      %lt3A_113 = arith.constant 0 : i32
      %lt3A_114 = vector.broadcast %lt3A_113 : i32 to vector<16xi32>
      %lt3A_115 = arith.cmpi slt, %gather3A_106, %lt3A_114 : vector<16xi32>
      %lt3A_116 = arith.cmpf olt, %gather3A_103, %gather3A_105 : vector<16xf32>
      %or3A_117 = arith.ori %lt3A_115, %lt3A_116 : vector<16xi1>
      %and3A_118 = arith.andi %and3A_112, %or3A_117 : vector<16xi1>
      tpu.vector_store_idx %arg6[%convert_element_type3A_102], %gather3A_103 masked %and3A_118 : memref<5120xf32, #tpu.memory_space<vmem>>[vector<16xi32>], vector<16xf32>, vector<16xi1>
      tpu.vector_store_idx %arg7[%convert_element_type3A_102], %broadcast_in_dim3A_100 masked %and3A_118 : memref<5120xi32, #tpu.memory_space<vmem>>[vector<16xi32>], vector<16xi32>, vector<16xi1>
      %broadcast_in_dim3A_119 = arith.constant 5 : i32
      %broadcast_in_dim3A_120 = vector.broadcast %broadcast_in_dim3A_119 : i32 to vector<16xi32>
      %gather3A_121 = tpu.vector_load_idx %arg5[%broadcast_in_dim3A_120, %select_n3A_16] : memref<24x32xf32, #tpu.memory_space<vmem>>[vector<16xi32>, vector<16xi32>], vector<16xf32>,
      %convert_element_type3A_122 = arith.fptosi %gather3A_121 : vector<16xf32> to vector<16xi32>
      %gather3A_123 = tpu.vector_load_idx %arg5[%broadcast_in_dim3A_120, %add3A_19] : memref<24x32xf32, #tpu.memory_space<vmem>>[vector<16xi32>, vector<16xi32>], vector<16xf32>,
      %gather3A_124 = tpu.vector_load_idx %arg5[%broadcast_in_dim3A_120, %broadcast_in_dim3A_20] : memref<24x32xf32, #tpu.memory_space<vmem>>[vector<16xi32>, vector<16xi32>], vector<16xf32>,
      %gather3A_125 = tpu.vector_load_idx %arg6[%convert_element_type3A_122] : memref<5120xf32, #tpu.memory_space<vmem>>[vector<16xi32>], vector<16xf32>,
      %gather3A_126 = tpu.vector_load_idx %arg7[%convert_element_type3A_122] : memref<5120xi32, #tpu.memory_space<vmem>>[vector<16xi32>], vector<16xi32>,
      %lt3A_127 = arith.constant 4 : i32
      %lt3A_128 = vector.broadcast %lt3A_127 : i32 to vector<16xi32>
      %lt3A_129 = arith.cmpi slt, %iota3A, %lt3A_128 : vector<16xi32>
      %convert_element_type3A_130 = arith.sitofp %iota3A : vector<16xi32> to vector<16xf32>
      %lt3A_131 = arith.cmpf olt, %convert_element_type3A_130, %gather3A_124 : vector<16xf32>
      %and3A_132 = arith.andi %lt3A_129, %lt3A_131 : vector<16xi1>
      %lt3A_133 = arith.constant 0 : i32
      %lt3A_134 = vector.broadcast %lt3A_133 : i32 to vector<16xi32>
      %lt3A_135 = arith.cmpi slt, %gather3A_126, %lt3A_134 : vector<16xi32>
      %lt3A_136 = arith.cmpf olt, %gather3A_123, %gather3A_125 : vector<16xf32>
      %or3A_137 = arith.ori %lt3A_135, %lt3A_136 : vector<16xi1>
      %and3A_138 = arith.andi %and3A_132, %or3A_137 : vector<16xi1>
      tpu.vector_store_idx %arg6[%convert_element_type3A_122], %gather3A_123 masked %and3A_138 : memref<5120xf32, #tpu.memory_space<vmem>>[vector<16xi32>], vector<16xf32>, vector<16xi1>
      tpu.vector_store_idx %arg7[%convert_element_type3A_122], %broadcast_in_dim3A_120 masked %and3A_138 : memref<5120xi32, #tpu.memory_space<vmem>>[vector<16xi32>], vector<16xi32>, vector<16xi1>
      %broadcast_in_dim3A_139 = arith.constant 6 : i32
      %broadcast_in_dim3A_140 = vector.broadcast %broadcast_in_dim3A_139 : i32 to vector<16xi32>
      %gather3A_141 = tpu.vector_load_idx %arg5[%broadcast_in_dim3A_140, %select_n3A_16] : memref<24x32xf32, #tpu.memory_space<vmem>>[vector<16xi32>, vector<16xi32>], vector<16xf32>,
      %convert_element_type3A_142 = arith.fptosi %gather3A_141 : vector<16xf32> to vector<16xi32>
      %gather3A_143 = tpu.vector_load_idx %arg5[%broadcast_in_dim3A_140, %add3A_19] : memref<24x32xf32, #tpu.memory_space<vmem>>[vector<16xi32>, vector<16xi32>], vector<16xf32>,
      %gather3A_144 = tpu.vector_load_idx %arg5[%broadcast_in_dim3A_140, %broadcast_in_dim3A_20] : memref<24x32xf32, #tpu.memory_space<vmem>>[vector<16xi32>, vector<16xi32>], vector<16xf32>,
      %gather3A_145 = tpu.vector_load_idx %arg6[%convert_element_type3A_142] : memref<5120xf32, #tpu.memory_space<vmem>>[vector<16xi32>], vector<16xf32>,
      %gather3A_146 = tpu.vector_load_idx %arg7[%convert_element_type3A_142] : memref<5120xi32, #tpu.memory_space<vmem>>[vector<16xi32>], vector<16xi32>,
      %lt3A_147 = arith.constant 4 : i32
      %lt3A_148 = vector.broadcast %lt3A_147 : i32 to vector<16xi32>
      %lt3A_149 = arith.cmpi slt, %iota3A, %lt3A_148 : vector<16xi32>
      %convert_element_type3A_150 = arith.sitofp %iota3A : vector<16xi32> to vector<16xf32>
      %lt3A_151 = arith.cmpf olt, %convert_element_type3A_150, %gather3A_144 : vector<16xf32>
      %and3A_152 = arith.andi %lt3A_149, %lt3A_151 : vector<16xi1>
      %lt3A_153 = arith.constant 0 : i32
      %lt3A_154 = vector.broadcast %lt3A_153 : i32 to vector<16xi32>
      %lt3A_155 = arith.cmpi slt, %gather3A_146, %lt3A_154 : vector<16xi32>
      %lt3A_156 = arith.cmpf olt, %gather3A_143, %gather3A_145 : vector<16xf32>
      %or3A_157 = arith.ori %lt3A_155, %lt3A_156 : vector<16xi1>
      %and3A_158 = arith.andi %and3A_152, %or3A_157 : vector<16xi1>
      tpu.vector_store_idx %arg6[%convert_element_type3A_142], %gather3A_143 masked %and3A_158 : memref<5120xf32, #tpu.memory_space<vmem>>[vector<16xi32>], vector<16xf32>, vector<16xi1>
      tpu.vector_store_idx %arg7[%convert_element_type3A_142], %broadcast_in_dim3A_140 masked %and3A_158 : memref<5120xi32, #tpu.memory_space<vmem>>[vector<16xi32>], vector<16xi32>, vector<16xi1>
      %broadcast_in_dim3A_159 = arith.constant 7 : i32
      %broadcast_in_dim3A_160 = vector.broadcast %broadcast_in_dim3A_159 : i32 to vector<16xi32>
      %gather3A_161 = tpu.vector_load_idx %arg5[%broadcast_in_dim3A_160, %select_n3A_16] : memref<24x32xf32, #tpu.memory_space<vmem>>[vector<16xi32>, vector<16xi32>], vector<16xf32>,
      %convert_element_type3A_162 = arith.fptosi %gather3A_161 : vector<16xf32> to vector<16xi32>
      %gather3A_163 = tpu.vector_load_idx %arg5[%broadcast_in_dim3A_160, %add3A_19] : memref<24x32xf32, #tpu.memory_space<vmem>>[vector<16xi32>, vector<16xi32>], vector<16xf32>,
      %gather3A_164 = tpu.vector_load_idx %arg5[%broadcast_in_dim3A_160, %broadcast_in_dim3A_20] : memref<24x32xf32, #tpu.memory_space<vmem>>[vector<16xi32>, vector<16xi32>], vector<16xf32>,
      %gather3A_165 = tpu.vector_load_idx %arg6[%convert_element_type3A_162] : memref<5120xf32, #tpu.memory_space<vmem>>[vector<16xi32>], vector<16xf32>,
      %gather3A_166 = tpu.vector_load_idx %arg7[%convert_element_type3A_162] : memref<5120xi32, #tpu.memory_space<vmem>>[vector<16xi32>], vector<16xi32>,
      %lt3A_167 = arith.constant 4 : i32
      %lt3A_168 = vector.broadcast %lt3A_167 : i32 to vector<16xi32>
      %lt3A_169 = arith.cmpi slt, %iota3A, %lt3A_168 : vector<16xi32>
      %convert_element_type3A_170 = arith.sitofp %iota3A : vector<16xi32> to vector<16xf32>
      %lt3A_171 = arith.cmpf olt, %convert_element_type3A_170, %gather3A_164 : vector<16xf32>
      %and3A_172 = arith.andi %lt3A_169, %lt3A_171 : vector<16xi1>
      %lt3A_173 = arith.constant 0 : i32
      %lt3A_174 = vector.broadcast %lt3A_173 : i32 to vector<16xi32>
      %lt3A_175 = arith.cmpi slt, %gather3A_166, %lt3A_174 : vector<16xi32>
      %lt3A_176 = arith.cmpf olt, %gather3A_163, %gather3A_165 : vector<16xf32>
      %or3A_177 = arith.ori %lt3A_175, %lt3A_176 : vector<16xi1>
      %and3A_178 = arith.andi %and3A_172, %or3A_177 : vector<16xi1>
      tpu.vector_store_idx %arg6[%convert_element_type3A_162], %gather3A_163 masked %and3A_178 : memref<5120xf32, #tpu.memory_space<vmem>>[vector<16xi32>], vector<16xf32>, vector<16xi1>
      tpu.vector_store_idx %arg7[%convert_element_type3A_162], %broadcast_in_dim3A_160 masked %and3A_178 : memref<5120xi32, #tpu.memory_space<vmem>>[vector<16xi32>], vector<16xi32>, vector<16xi1>
      %broadcast_in_dim3A_179 = arith.constant 8 : i32
      %broadcast_in_dim3A_180 = vector.broadcast %broadcast_in_dim3A_179 : i32 to vector<16xi32>
      %gather3A_181 = tpu.vector_load_idx %arg5[%broadcast_in_dim3A_180, %select_n3A_16] : memref<24x32xf32, #tpu.memory_space<vmem>>[vector<16xi32>, vector<16xi32>], vector<16xf32>,
      %convert_element_type3A_182 = arith.fptosi %gather3A_181 : vector<16xf32> to vector<16xi32>
      %gather3A_183 = tpu.vector_load_idx %arg5[%broadcast_in_dim3A_180, %add3A_19] : memref<24x32xf32, #tpu.memory_space<vmem>>[vector<16xi32>, vector<16xi32>], vector<16xf32>,
      %gather3A_184 = tpu.vector_load_idx %arg5[%broadcast_in_dim3A_180, %broadcast_in_dim3A_20] : memref<24x32xf32, #tpu.memory_space<vmem>>[vector<16xi32>, vector<16xi32>], vector<16xf32>,
      %gather3A_185 = tpu.vector_load_idx %arg6[%convert_element_type3A_182] : memref<5120xf32, #tpu.memory_space<vmem>>[vector<16xi32>], vector<16xf32>,
      %gather3A_186 = tpu.vector_load_idx %arg7[%convert_element_type3A_182] : memref<5120xi32, #tpu.memory_space<vmem>>[vector<16xi32>], vector<16xi32>,
      %lt3A_187 = arith.constant 4 : i32
      %lt3A_188 = vector.broadcast %lt3A_187 : i32 to vector<16xi32>
      %lt3A_189 = arith.cmpi slt, %iota3A, %lt3A_188 : vector<16xi32>
      %convert_element_type3A_190 = arith.sitofp %iota3A : vector<16xi32> to vector<16xf32>
      %lt3A_191 = arith.cmpf olt, %convert_element_type3A_190, %gather3A_184 : vector<16xf32>
      %and3A_192 = arith.andi %lt3A_189, %lt3A_191 : vector<16xi1>
      %lt3A_193 = arith.constant 0 : i32
      %lt3A_194 = vector.broadcast %lt3A_193 : i32 to vector<16xi32>
      %lt3A_195 = arith.cmpi slt, %gather3A_186, %lt3A_194 : vector<16xi32>
      %lt3A_196 = arith.cmpf olt, %gather3A_183, %gather3A_185 : vector<16xf32>
      %or3A_197 = arith.ori %lt3A_195, %lt3A_196 : vector<16xi1>
      %and3A_198 = arith.andi %and3A_192, %or3A_197 : vector<16xi1>
      tpu.vector_store_idx %arg6[%convert_element_type3A_182], %gather3A_183 masked %and3A_198 : memref<5120xf32, #tpu.memory_space<vmem>>[vector<16xi32>], vector<16xf32>, vector<16xi1>
      tpu.vector_store_idx %arg7[%convert_element_type3A_182], %broadcast_in_dim3A_180 masked %and3A_198 : memref<5120xi32, #tpu.memory_space<vmem>>[vector<16xi32>], vector<16xi32>, vector<16xi1>
      %broadcast_in_dim3A_199 = arith.constant 9 : i32
      %broadcast_in_dim3A_200 = vector.broadcast %broadcast_in_dim3A_199 : i32 to vector<16xi32>
      %gather3A_201 = tpu.vector_load_idx %arg5[%broadcast_in_dim3A_200, %select_n3A_16] : memref<24x32xf32, #tpu.memory_space<vmem>>[vector<16xi32>, vector<16xi32>], vector<16xf32>,
      %convert_element_type3A_202 = arith.fptosi %gather3A_201 : vector<16xf32> to vector<16xi32>
      %gather3A_203 = tpu.vector_load_idx %arg5[%broadcast_in_dim3A_200, %add3A_19] : memref<24x32xf32, #tpu.memory_space<vmem>>[vector<16xi32>, vector<16xi32>], vector<16xf32>,
      %gather3A_204 = tpu.vector_load_idx %arg5[%broadcast_in_dim3A_200, %broadcast_in_dim3A_20] : memref<24x32xf32, #tpu.memory_space<vmem>>[vector<16xi32>, vector<16xi32>], vector<16xf32>,
      %gather3A_205 = tpu.vector_load_idx %arg6[%convert_element_type3A_202] : memref<5120xf32, #tpu.memory_space<vmem>>[vector<16xi32>], vector<16xf32>,
      %gather3A_206 = tpu.vector_load_idx %arg7[%convert_element_type3A_202] : memref<5120xi32, #tpu.memory_space<vmem>>[vector<16xi32>], vector<16xi32>,
      %lt3A_207 = arith.constant 4 : i32
      %lt3A_208 = vector.broadcast %lt3A_207 : i32 to vector<16xi32>
      %lt3A_209 = arith.cmpi slt, %iota3A, %lt3A_208 : vector<16xi32>
      %convert_element_type3A_210 = arith.sitofp %iota3A : vector<16xi32> to vector<16xf32>
      %lt3A_211 = arith.cmpf olt, %convert_element_type3A_210, %gather3A_204 : vector<16xf32>
      %and3A_212 = arith.andi %lt3A_209, %lt3A_211 : vector<16xi1>
      %lt3A_213 = arith.constant 0 : i32
      %lt3A_214 = vector.broadcast %lt3A_213 : i32 to vector<16xi32>
      %lt3A_215 = arith.cmpi slt, %gather3A_206, %lt3A_214 : vector<16xi32>
      %lt3A_216 = arith.cmpf olt, %gather3A_203, %gather3A_205 : vector<16xf32>
      %or3A_217 = arith.ori %lt3A_215, %lt3A_216 : vector<16xi1>
      %and3A_218 = arith.andi %and3A_212, %or3A_217 : vector<16xi1>
      tpu.vector_store_idx %arg6[%convert_element_type3A_202], %gather3A_203 masked %and3A_218 : memref<5120xf32, #tpu.memory_space<vmem>>[vector<16xi32>], vector<16xf32>, vector<16xi1>
      tpu.vector_store_idx %arg7[%convert_element_type3A_202], %broadcast_in_dim3A_200 masked %and3A_218 : memref<5120xi32, #tpu.memory_space<vmem>>[vector<16xi32>], vector<16xi32>, vector<16xi1>
      %broadcast_in_dim3A_219 = arith.constant 10 : i32
      %broadcast_in_dim3A_220 = vector.broadcast %broadcast_in_dim3A_219 : i32 to vector<16xi32>
      %gather3A_221 = tpu.vector_load_idx %arg5[%broadcast_in_dim3A_220, %select_n3A_16] : memref<24x32xf32, #tpu.memory_space<vmem>>[vector<16xi32>, vector<16xi32>], vector<16xf32>,
      %convert_element_type3A_222 = arith.fptosi %gather3A_221 : vector<16xf32> to vector<16xi32>
      %gather3A_223 = tpu.vector_load_idx %arg5[%broadcast_in_dim3A_220, %add3A_19] : memref<24x32xf32, #tpu.memory_space<vmem>>[vector<16xi32>, vector<16xi32>], vector<16xf32>,
      %gather3A_224 = tpu.vector_load_idx %arg5[%broadcast_in_dim3A_220, %broadcast_in_dim3A_20] : memref<24x32xf32, #tpu.memory_space<vmem>>[vector<16xi32>, vector<16xi32>], vector<16xf32>,
      %gather3A_225 = tpu.vector_load_idx %arg6[%convert_element_type3A_222] : memref<5120xf32, #tpu.memory_space<vmem>>[vector<16xi32>], vector<16xf32>,
      %gather3A_226 = tpu.vector_load_idx %arg7[%convert_element_type3A_222] : memref<5120xi32, #tpu.memory_space<vmem>>[vector<16xi32>], vector<16xi32>,
      %lt3A_227 = arith.constant 4 : i32
      %lt3A_228 = vector.broadcast %lt3A_227 : i32 to vector<16xi32>
      %lt3A_229 = arith.cmpi slt, %iota3A, %lt3A_228 : vector<16xi32>
      %convert_element_type3A_230 = arith.sitofp %iota3A : vector<16xi32> to vector<16xf32>
      %lt3A_231 = arith.cmpf olt, %convert_element_type3A_230, %gather3A_224 : vector<16xf32>
      %and3A_232 = arith.andi %lt3A_229, %lt3A_231 : vector<16xi1>
      %lt3A_233 = arith.constant 0 : i32
      %lt3A_234 = vector.broadcast %lt3A_233 : i32 to vector<16xi32>
      %lt3A_235 = arith.cmpi slt, %gather3A_226, %lt3A_234 : vector<16xi32>
      %lt3A_236 = arith.cmpf olt, %gather3A_223, %gather3A_225 : vector<16xf32>
      %or3A_237 = arith.ori %lt3A_235, %lt3A_236 : vector<16xi1>
      %and3A_238 = arith.andi %and3A_232, %or3A_237 : vector<16xi1>
      tpu.vector_store_idx %arg6[%convert_element_type3A_222], %gather3A_223 masked %and3A_238 : memref<5120xf32, #tpu.memory_space<vmem>>[vector<16xi32>], vector<16xf32>, vector<16xi1>
      tpu.vector_store_idx %arg7[%convert_element_type3A_222], %broadcast_in_dim3A_220 masked %and3A_238 : memref<5120xi32, #tpu.memory_space<vmem>>[vector<16xi32>], vector<16xi32>, vector<16xi1>
      %broadcast_in_dim3A_239 = arith.constant 11 : i32
      %broadcast_in_dim3A_240 = vector.broadcast %broadcast_in_dim3A_239 : i32 to vector<16xi32>
      %gather3A_241 = tpu.vector_load_idx %arg5[%broadcast_in_dim3A_240, %select_n3A_16] : memref<24x32xf32, #tpu.memory_space<vmem>>[vector<16xi32>, vector<16xi32>], vector<16xf32>,
      %convert_element_type3A_242 = arith.fptosi %gather3A_241 : vector<16xf32> to vector<16xi32>
      %gather3A_243 = tpu.vector_load_idx %arg5[%broadcast_in_dim3A_240, %add3A_19] : memref<24x32xf32, #tpu.memory_space<vmem>>[vector<16xi32>, vector<16xi32>], vector<16xf32>,
      %gather3A_244 = tpu.vector_load_idx %arg5[%broadcast_in_dim3A_240, %broadcast_in_dim3A_20] : memref<24x32xf32, #tpu.memory_space<vmem>>[vector<16xi32>, vector<16xi32>], vector<16xf32>,
      %gather3A_245 = tpu.vector_load_idx %arg6[%convert_element_type3A_242] : memref<5120xf32, #tpu.memory_space<vmem>>[vector<16xi32>], vector<16xf32>,
      %gather3A_246 = tpu.vector_load_idx %arg7[%convert_element_type3A_242] : memref<5120xi32, #tpu.memory_space<vmem>>[vector<16xi32>], vector<16xi32>,
      %lt3A_247 = arith.constant 4 : i32
      %lt3A_248 = vector.broadcast %lt3A_247 : i32 to vector<16xi32>
      %lt3A_249 = arith.cmpi slt, %iota3A, %lt3A_248 : vector<16xi32>
      %convert_element_type3A_250 = arith.sitofp %iota3A : vector<16xi32> to vector<16xf32>
      %lt3A_251 = arith.cmpf olt, %convert_element_type3A_250, %gather3A_244 : vector<16xf32>
      %and3A_252 = arith.andi %lt3A_249, %lt3A_251 : vector<16xi1>
      %lt3A_253 = arith.constant 0 : i32
      %lt3A_254 = vector.broadcast %lt3A_253 : i32 to vector<16xi32>
      %lt3A_255 = arith.cmpi slt, %gather3A_246, %lt3A_254 : vector<16xi32>
      %lt3A_256 = arith.cmpf olt, %gather3A_243, %gather3A_245 : vector<16xf32>
      %or3A_257 = arith.ori %lt3A_255, %lt3A_256 : vector<16xi1>
      %and3A_258 = arith.andi %and3A_252, %or3A_257 : vector<16xi1>
      tpu.vector_store_idx %arg6[%convert_element_type3A_242], %gather3A_243 masked %and3A_258 : memref<5120xf32, #tpu.memory_space<vmem>>[vector<16xi32>], vector<16xf32>, vector<16xi1>
      tpu.vector_store_idx %arg7[%convert_element_type3A_242], %broadcast_in_dim3A_240 masked %and3A_258 : memref<5120xi32, #tpu.memory_space<vmem>>[vector<16xi32>], vector<16xi32>, vector<16xi1>
      %broadcast_in_dim3A_259 = arith.constant 12 : i32
      %broadcast_in_dim3A_260 = vector.broadcast %broadcast_in_dim3A_259 : i32 to vector<16xi32>
      %gather3A_261 = tpu.vector_load_idx %arg5[%broadcast_in_dim3A_260, %select_n3A_16] : memref<24x32xf32, #tpu.memory_space<vmem>>[vector<16xi32>, vector<16xi32>], vector<16xf32>,
      %convert_element_type3A_262 = arith.fptosi %gather3A_261 : vector<16xf32> to vector<16xi32>
      %gather3A_263 = tpu.vector_load_idx %arg5[%broadcast_in_dim3A_260, %add3A_19] : memref<24x32xf32, #tpu.memory_space<vmem>>[vector<16xi32>, vector<16xi32>], vector<16xf32>,
      %gather3A_264 = tpu.vector_load_idx %arg5[%broadcast_in_dim3A_260, %broadcast_in_dim3A_20] : memref<24x32xf32, #tpu.memory_space<vmem>>[vector<16xi32>, vector<16xi32>], vector<16xf32>,
      %gather3A_265 = tpu.vector_load_idx %arg6[%convert_element_type3A_262] : memref<5120xf32, #tpu.memory_space<vmem>>[vector<16xi32>], vector<16xf32>,
      %gather3A_266 = tpu.vector_load_idx %arg7[%convert_element_type3A_262] : memref<5120xi32, #tpu.memory_space<vmem>>[vector<16xi32>], vector<16xi32>,
      %lt3A_267 = arith.constant 4 : i32
      %lt3A_268 = vector.broadcast %lt3A_267 : i32 to vector<16xi32>
      %lt3A_269 = arith.cmpi slt, %iota3A, %lt3A_268 : vector<16xi32>
      %convert_element_type3A_270 = arith.sitofp %iota3A : vector<16xi32> to vector<16xf32>
      %lt3A_271 = arith.cmpf olt, %convert_element_type3A_270, %gather3A_264 : vector<16xf32>
      %and3A_272 = arith.andi %lt3A_269, %lt3A_271 : vector<16xi1>
      %lt3A_273 = arith.constant 0 : i32
      %lt3A_274 = vector.broadcast %lt3A_273 : i32 to vector<16xi32>
      %lt3A_275 = arith.cmpi slt, %gather3A_266, %lt3A_274 : vector<16xi32>
      %lt3A_276 = arith.cmpf olt, %gather3A_263, %gather3A_265 : vector<16xf32>
      %or3A_277 = arith.ori %lt3A_275, %lt3A_276 : vector<16xi1>
      %and3A_278 = arith.andi %and3A_272, %or3A_277 : vector<16xi1>
      tpu.vector_store_idx %arg6[%convert_element_type3A_262], %gather3A_263 masked %and3A_278 : memref<5120xf32, #tpu.memory_space<vmem>>[vector<16xi32>], vector<16xf32>, vector<16xi1>
      tpu.vector_store_idx %arg7[%convert_element_type3A_262], %broadcast_in_dim3A_260 masked %and3A_278 : memref<5120xi32, #tpu.memory_space<vmem>>[vector<16xi32>], vector<16xi32>, vector<16xi1>
      %broadcast_in_dim3A_279 = arith.constant 13 : i32
      %broadcast_in_dim3A_280 = vector.broadcast %broadcast_in_dim3A_279 : i32 to vector<16xi32>
      %gather3A_281 = tpu.vector_load_idx %arg5[%broadcast_in_dim3A_280, %select_n3A_16] : memref<24x32xf32, #tpu.memory_space<vmem>>[vector<16xi32>, vector<16xi32>], vector<16xf32>,
      %convert_element_type3A_282 = arith.fptosi %gather3A_281 : vector<16xf32> to vector<16xi32>
      %gather3A_283 = tpu.vector_load_idx %arg5[%broadcast_in_dim3A_280, %add3A_19] : memref<24x32xf32, #tpu.memory_space<vmem>>[vector<16xi32>, vector<16xi32>], vector<16xf32>,
      %gather3A_284 = tpu.vector_load_idx %arg5[%broadcast_in_dim3A_280, %broadcast_in_dim3A_20] : memref<24x32xf32, #tpu.memory_space<vmem>>[vector<16xi32>, vector<16xi32>], vector<16xf32>,
      %gather3A_285 = tpu.vector_load_idx %arg6[%convert_element_type3A_282] : memref<5120xf32, #tpu.memory_space<vmem>>[vector<16xi32>], vector<16xf32>,
      %gather3A_286 = tpu.vector_load_idx %arg7[%convert_element_type3A_282] : memref<5120xi32, #tpu.memory_space<vmem>>[vector<16xi32>], vector<16xi32>,
      %lt3A_287 = arith.constant 4 : i32
      %lt3A_288 = vector.broadcast %lt3A_287 : i32 to vector<16xi32>
      %lt3A_289 = arith.cmpi slt, %iota3A, %lt3A_288 : vector<16xi32>
      %convert_element_type3A_290 = arith.sitofp %iota3A : vector<16xi32> to vector<16xf32>
      %lt3A_291 = arith.cmpf olt, %convert_element_type3A_290, %gather3A_284 : vector<16xf32>
      %and3A_292 = arith.andi %lt3A_289, %lt3A_291 : vector<16xi1>
      %lt3A_293 = arith.constant 0 : i32
      %lt3A_294 = vector.broadcast %lt3A_293 : i32 to vector<16xi32>
      %lt3A_295 = arith.cmpi slt, %gather3A_286, %lt3A_294 : vector<16xi32>
      %lt3A_296 = arith.cmpf olt, %gather3A_283, %gather3A_285 : vector<16xf32>
      %or3A_297 = arith.ori %lt3A_295, %lt3A_296 : vector<16xi1>
      %and3A_298 = arith.andi %and3A_292, %or3A_297 : vector<16xi1>
      tpu.vector_store_idx %arg6[%convert_element_type3A_282], %gather3A_283 masked %and3A_298 : memref<5120xf32, #tpu.memory_space<vmem>>[vector<16xi32>], vector<16xf32>, vector<16xi1>
      tpu.vector_store_idx %arg7[%convert_element_type3A_282], %broadcast_in_dim3A_280 masked %and3A_298 : memref<5120xi32, #tpu.memory_space<vmem>>[vector<16xi32>], vector<16xi32>, vector<16xi1>
      %broadcast_in_dim3A_299 = arith.constant 14 : i32
      %broadcast_in_dim3A_300 = vector.broadcast %broadcast_in_dim3A_299 : i32 to vector<16xi32>
      %gather3A_301 = tpu.vector_load_idx %arg5[%broadcast_in_dim3A_300, %select_n3A_16] : memref<24x32xf32, #tpu.memory_space<vmem>>[vector<16xi32>, vector<16xi32>], vector<16xf32>,
      %convert_element_type3A_302 = arith.fptosi %gather3A_301 : vector<16xf32> to vector<16xi32>
      %gather3A_303 = tpu.vector_load_idx %arg5[%broadcast_in_dim3A_300, %add3A_19] : memref<24x32xf32, #tpu.memory_space<vmem>>[vector<16xi32>, vector<16xi32>], vector<16xf32>,
      %gather3A_304 = tpu.vector_load_idx %arg5[%broadcast_in_dim3A_300, %broadcast_in_dim3A_20] : memref<24x32xf32, #tpu.memory_space<vmem>>[vector<16xi32>, vector<16xi32>], vector<16xf32>,
      %gather3A_305 = tpu.vector_load_idx %arg6[%convert_element_type3A_302] : memref<5120xf32, #tpu.memory_space<vmem>>[vector<16xi32>], vector<16xf32>,
      %gather3A_306 = tpu.vector_load_idx %arg7[%convert_element_type3A_302] : memref<5120xi32, #tpu.memory_space<vmem>>[vector<16xi32>], vector<16xi32>,
      %lt3A_307 = arith.constant 4 : i32
      %lt3A_308 = vector.broadcast %lt3A_307 : i32 to vector<16xi32>
      %lt3A_309 = arith.cmpi slt, %iota3A, %lt3A_308 : vector<16xi32>
      %convert_element_type3A_310 = arith.sitofp %iota3A : vector<16xi32> to vector<16xf32>
      %lt3A_311 = arith.cmpf olt, %convert_element_type3A_310, %gather3A_304 : vector<16xf32>
      %and3A_312 = arith.andi %lt3A_309, %lt3A_311 : vector<16xi1>
      %lt3A_313 = arith.constant 0 : i32
      %lt3A_314 = vector.broadcast %lt3A_313 : i32 to vector<16xi32>
      %lt3A_315 = arith.cmpi slt, %gather3A_306, %lt3A_314 : vector<16xi32>
      %lt3A_316 = arith.cmpf olt, %gather3A_303, %gather3A_305 : vector<16xf32>
      %or3A_317 = arith.ori %lt3A_315, %lt3A_316 : vector<16xi1>
      %and3A_318 = arith.andi %and3A_312, %or3A_317 : vector<16xi1>
      tpu.vector_store_idx %arg6[%convert_element_type3A_302], %gather3A_303 masked %and3A_318 : memref<5120xf32, #tpu.memory_space<vmem>>[vector<16xi32>], vector<16xf32>, vector<16xi1>
      tpu.vector_store_idx %arg7[%convert_element_type3A_302], %broadcast_in_dim3A_300 masked %and3A_318 : memref<5120xi32, #tpu.memory_space<vmem>>[vector<16xi32>], vector<16xi32>, vector<16xi1>
      %broadcast_in_dim3A_319 = arith.constant 15 : i32
      %broadcast_in_dim3A_320 = vector.broadcast %broadcast_in_dim3A_319 : i32 to vector<16xi32>
      %gather3A_321 = tpu.vector_load_idx %arg5[%broadcast_in_dim3A_320, %select_n3A_16] : memref<24x32xf32, #tpu.memory_space<vmem>>[vector<16xi32>, vector<16xi32>], vector<16xf32>,
      %convert_element_type3A_322 = arith.fptosi %gather3A_321 : vector<16xf32> to vector<16xi32>
      %gather3A_323 = tpu.vector_load_idx %arg5[%broadcast_in_dim3A_320, %add3A_19] : memref<24x32xf32, #tpu.memory_space<vmem>>[vector<16xi32>, vector<16xi32>], vector<16xf32>,
      %gather3A_324 = tpu.vector_load_idx %arg5[%broadcast_in_dim3A_320, %broadcast_in_dim3A_20] : memref<24x32xf32, #tpu.memory_space<vmem>>[vector<16xi32>, vector<16xi32>], vector<16xf32>,
      %gather3A_325 = tpu.vector_load_idx %arg6[%convert_element_type3A_322] : memref<5120xf32, #tpu.memory_space<vmem>>[vector<16xi32>], vector<16xf32>,
      %gather3A_326 = tpu.vector_load_idx %arg7[%convert_element_type3A_322] : memref<5120xi32, #tpu.memory_space<vmem>>[vector<16xi32>], vector<16xi32>,
      %lt3A_327 = arith.constant 4 : i32
      %lt3A_328 = vector.broadcast %lt3A_327 : i32 to vector<16xi32>
      %lt3A_329 = arith.cmpi slt, %iota3A, %lt3A_328 : vector<16xi32>
      %convert_element_type3A_330 = arith.sitofp %iota3A : vector<16xi32> to vector<16xf32>
      %lt3A_331 = arith.cmpf olt, %convert_element_type3A_330, %gather3A_324 : vector<16xf32>
      %and3A_332 = arith.andi %lt3A_329, %lt3A_331 : vector<16xi1>
      %lt3A_333 = arith.constant 0 : i32
      %lt3A_334 = vector.broadcast %lt3A_333 : i32 to vector<16xi32>
      %lt3A_335 = arith.cmpi slt, %gather3A_326, %lt3A_334 : vector<16xi32>
      %lt3A_336 = arith.cmpf olt, %gather3A_323, %gather3A_325 : vector<16xf32>
      %or3A_337 = arith.ori %lt3A_335, %lt3A_336 : vector<16xi1>
      %and3A_338 = arith.andi %and3A_332, %or3A_337 : vector<16xi1>
      tpu.vector_store_idx %arg6[%convert_element_type3A_322], %gather3A_323 masked %and3A_338 : memref<5120xf32, #tpu.memory_space<vmem>>[vector<16xi32>], vector<16xf32>, vector<16xi1>
      tpu.vector_store_idx %arg7[%convert_element_type3A_322], %broadcast_in_dim3A_320 masked %and3A_338 : memref<5120xi32, #tpu.memory_space<vmem>>[vector<16xi32>], vector<16xi32>, vector<16xi1>
      %broadcast_in_dim3A_339 = arith.constant 16 : i32
      %broadcast_in_dim3A_340 = vector.broadcast %broadcast_in_dim3A_339 : i32 to vector<16xi32>
      %gather3A_341 = tpu.vector_load_idx %arg5[%broadcast_in_dim3A_340, %select_n3A_16] : memref<24x32xf32, #tpu.memory_space<vmem>>[vector<16xi32>, vector<16xi32>], vector<16xf32>,
      %convert_element_type3A_342 = arith.fptosi %gather3A_341 : vector<16xf32> to vector<16xi32>
      %gather3A_343 = tpu.vector_load_idx %arg5[%broadcast_in_dim3A_340, %add3A_19] : memref<24x32xf32, #tpu.memory_space<vmem>>[vector<16xi32>, vector<16xi32>], vector<16xf32>,
      %gather3A_344 = tpu.vector_load_idx %arg5[%broadcast_in_dim3A_340, %broadcast_in_dim3A_20] : memref<24x32xf32, #tpu.memory_space<vmem>>[vector<16xi32>, vector<16xi32>], vector<16xf32>,
      %gather3A_345 = tpu.vector_load_idx %arg6[%convert_element_type3A_342] : memref<5120xf32, #tpu.memory_space<vmem>>[vector<16xi32>], vector<16xf32>,
      %gather3A_346 = tpu.vector_load_idx %arg7[%convert_element_type3A_342] : memref<5120xi32, #tpu.memory_space<vmem>>[vector<16xi32>], vector<16xi32>,
      %lt3A_347 = arith.constant 4 : i32
      %lt3A_348 = vector.broadcast %lt3A_347 : i32 to vector<16xi32>
      %lt3A_349 = arith.cmpi slt, %iota3A, %lt3A_348 : vector<16xi32>
      %convert_element_type3A_350 = arith.sitofp %iota3A : vector<16xi32> to vector<16xf32>
      %lt3A_351 = arith.cmpf olt, %convert_element_type3A_350, %gather3A_344 : vector<16xf32>
      %and3A_352 = arith.andi %lt3A_349, %lt3A_351 : vector<16xi1>
      %lt3A_353 = arith.constant 0 : i32
      %lt3A_354 = vector.broadcast %lt3A_353 : i32 to vector<16xi32>
      %lt3A_355 = arith.cmpi slt, %gather3A_346, %lt3A_354 : vector<16xi32>
      %lt3A_356 = arith.cmpf olt, %gather3A_343, %gather3A_345 : vector<16xf32>
      %or3A_357 = arith.ori %lt3A_355, %lt3A_356 : vector<16xi1>
      %and3A_358 = arith.andi %and3A_352, %or3A_357 : vector<16xi1>
      tpu.vector_store_idx %arg6[%convert_element_type3A_342], %gather3A_343 masked %and3A_358 : memref<5120xf32, #tpu.memory_space<vmem>>[vector<16xi32>], vector<16xf32>, vector<16xi1>
      tpu.vector_store_idx %arg7[%convert_element_type3A_342], %broadcast_in_dim3A_340 masked %and3A_358 : memref<5120xi32, #tpu.memory_space<vmem>>[vector<16xi32>], vector<16xi32>, vector<16xi1>
      %broadcast_in_dim3A_359 = arith.constant 17 : i32
      %broadcast_in_dim3A_360 = vector.broadcast %broadcast_in_dim3A_359 : i32 to vector<16xi32>
      %gather3A_361 = tpu.vector_load_idx %arg5[%broadcast_in_dim3A_360, %select_n3A_16] : memref<24x32xf32, #tpu.memory_space<vmem>>[vector<16xi32>, vector<16xi32>], vector<16xf32>,
      %convert_element_type3A_362 = arith.fptosi %gather3A_361 : vector<16xf32> to vector<16xi32>
      %gather3A_363 = tpu.vector_load_idx %arg5[%broadcast_in_dim3A_360, %add3A_19] : memref<24x32xf32, #tpu.memory_space<vmem>>[vector<16xi32>, vector<16xi32>], vector<16xf32>,
      %gather3A_364 = tpu.vector_load_idx %arg5[%broadcast_in_dim3A_360, %broadcast_in_dim3A_20] : memref<24x32xf32, #tpu.memory_space<vmem>>[vector<16xi32>, vector<16xi32>], vector<16xf32>,
      %gather3A_365 = tpu.vector_load_idx %arg6[%convert_element_type3A_362] : memref<5120xf32, #tpu.memory_space<vmem>>[vector<16xi32>], vector<16xf32>,
      %gather3A_366 = tpu.vector_load_idx %arg7[%convert_element_type3A_362] : memref<5120xi32, #tpu.memory_space<vmem>>[vector<16xi32>], vector<16xi32>,
      %lt3A_367 = arith.constant 4 : i32
      %lt3A_368 = vector.broadcast %lt3A_367 : i32 to vector<16xi32>
      %lt3A_369 = arith.cmpi slt, %iota3A, %lt3A_368 : vector<16xi32>
      %convert_element_type3A_370 = arith.sitofp %iota3A : vector<16xi32> to vector<16xf32>
      %lt3A_371 = arith.cmpf olt, %convert_element_type3A_370, %gather3A_364 : vector<16xf32>
      %and3A_372 = arith.andi %lt3A_369, %lt3A_371 : vector<16xi1>
      %lt3A_373 = arith.constant 0 : i32
      %lt3A_374 = vector.broadcast %lt3A_373 : i32 to vector<16xi32>
      %lt3A_375 = arith.cmpi slt, %gather3A_366, %lt3A_374 : vector<16xi32>
      %lt3A_376 = arith.cmpf olt, %gather3A_363, %gather3A_365 : vector<16xf32>
      %or3A_377 = arith.ori %lt3A_375, %lt3A_376 : vector<16xi1>
      %and3A_378 = arith.andi %and3A_372, %or3A_377 : vector<16xi1>
      tpu.vector_store_idx %arg6[%convert_element_type3A_362], %gather3A_363 masked %and3A_378 : memref<5120xf32, #tpu.memory_space<vmem>>[vector<16xi32>], vector<16xf32>, vector<16xi1>
      tpu.vector_store_idx %arg7[%convert_element_type3A_362], %broadcast_in_dim3A_360 masked %and3A_378 : memref<5120xi32, #tpu.memory_space<vmem>>[vector<16xi32>], vector<16xi32>, vector<16xi1>
      %broadcast_in_dim3A_379 = arith.constant 18 : i32
      %broadcast_in_dim3A_380 = vector.broadcast %broadcast_in_dim3A_379 : i32 to vector<16xi32>
      %gather3A_381 = tpu.vector_load_idx %arg5[%broadcast_in_dim3A_380, %select_n3A_16] : memref<24x32xf32, #tpu.memory_space<vmem>>[vector<16xi32>, vector<16xi32>], vector<16xf32>,
      %convert_element_type3A_382 = arith.fptosi %gather3A_381 : vector<16xf32> to vector<16xi32>
      %gather3A_383 = tpu.vector_load_idx %arg5[%broadcast_in_dim3A_380, %add3A_19] : memref<24x32xf32, #tpu.memory_space<vmem>>[vector<16xi32>, vector<16xi32>], vector<16xf32>,
      %gather3A_384 = tpu.vector_load_idx %arg5[%broadcast_in_dim3A_380, %broadcast_in_dim3A_20] : memref<24x32xf32, #tpu.memory_space<vmem>>[vector<16xi32>, vector<16xi32>], vector<16xf32>,
      %gather3A_385 = tpu.vector_load_idx %arg6[%convert_element_type3A_382] : memref<5120xf32, #tpu.memory_space<vmem>>[vector<16xi32>], vector<16xf32>,
      %gather3A_386 = tpu.vector_load_idx %arg7[%convert_element_type3A_382] : memref<5120xi32, #tpu.memory_space<vmem>>[vector<16xi32>], vector<16xi32>,
      %lt3A_387 = arith.constant 4 : i32
      %lt3A_388 = vector.broadcast %lt3A_387 : i32 to vector<16xi32>
      %lt3A_389 = arith.cmpi slt, %iota3A, %lt3A_388 : vector<16xi32>
      %convert_element_type3A_390 = arith.sitofp %iota3A : vector<16xi32> to vector<16xf32>
      %lt3A_391 = arith.cmpf olt, %convert_element_type3A_390, %gather3A_384 : vector<16xf32>
      %and3A_392 = arith.andi %lt3A_389, %lt3A_391 : vector<16xi1>
      %lt3A_393 = arith.constant 0 : i32
      %lt3A_394 = vector.broadcast %lt3A_393 : i32 to vector<16xi32>
      %lt3A_395 = arith.cmpi slt, %gather3A_386, %lt3A_394 : vector<16xi32>
      %lt3A_396 = arith.cmpf olt, %gather3A_383, %gather3A_385 : vector<16xf32>
      %or3A_397 = arith.ori %lt3A_395, %lt3A_396 : vector<16xi1>
      %and3A_398 = arith.andi %and3A_392, %or3A_397 : vector<16xi1>
      tpu.vector_store_idx %arg6[%convert_element_type3A_382], %gather3A_383 masked %and3A_398 : memref<5120xf32, #tpu.memory_space<vmem>>[vector<16xi32>], vector<16xf32>, vector<16xi1>
      tpu.vector_store_idx %arg7[%convert_element_type3A_382], %broadcast_in_dim3A_380 masked %and3A_398 : memref<5120xi32, #tpu.memory_space<vmem>>[vector<16xi32>], vector<16xi32>, vector<16xi1>
      %broadcast_in_dim3A_399 = arith.constant 19 : i32
      %broadcast_in_dim3A_400 = vector.broadcast %broadcast_in_dim3A_399 : i32 to vector<16xi32>
      %gather3A_401 = tpu.vector_load_idx %arg5[%broadcast_in_dim3A_400, %select_n3A_16] : memref<24x32xf32, #tpu.memory_space<vmem>>[vector<16xi32>, vector<16xi32>], vector<16xf32>,
      %convert_element_type3A_402 = arith.fptosi %gather3A_401 : vector<16xf32> to vector<16xi32>
      %gather3A_403 = tpu.vector_load_idx %arg5[%broadcast_in_dim3A_400, %add3A_19] : memref<24x32xf32, #tpu.memory_space<vmem>>[vector<16xi32>, vector<16xi32>], vector<16xf32>,
      %gather3A_404 = tpu.vector_load_idx %arg5[%broadcast_in_dim3A_400, %broadcast_in_dim3A_20] : memref<24x32xf32, #tpu.memory_space<vmem>>[vector<16xi32>, vector<16xi32>], vector<16xf32>,
      %gather3A_405 = tpu.vector_load_idx %arg6[%convert_element_type3A_402] : memref<5120xf32, #tpu.memory_space<vmem>>[vector<16xi32>], vector<16xf32>,
      %gather3A_406 = tpu.vector_load_idx %arg7[%convert_element_type3A_402] : memref<5120xi32, #tpu.memory_space<vmem>>[vector<16xi32>], vector<16xi32>,
      %lt3A_407 = arith.constant 4 : i32
      %lt3A_408 = vector.broadcast %lt3A_407 : i32 to vector<16xi32>
      %lt3A_409 = arith.cmpi slt, %iota3A, %lt3A_408 : vector<16xi32>
      %convert_element_type3A_410 = arith.sitofp %iota3A : vector<16xi32> to vector<16xf32>
      %lt3A_411 = arith.cmpf olt, %convert_element_type3A_410, %gather3A_404 : vector<16xf32>
      %and3A_412 = arith.andi %lt3A_409, %lt3A_411 : vector<16xi1>
      %lt3A_413 = arith.constant 0 : i32
      %lt3A_414 = vector.broadcast %lt3A_413 : i32 to vector<16xi32>
      %lt3A_415 = arith.cmpi slt, %gather3A_406, %lt3A_414 : vector<16xi32>
      %lt3A_416 = arith.cmpf olt, %gather3A_403, %gather3A_405 : vector<16xf32>
      %or3A_417 = arith.ori %lt3A_415, %lt3A_416 : vector<16xi1>
      %and3A_418 = arith.andi %and3A_412, %or3A_417 : vector<16xi1>
      tpu.vector_store_idx %arg6[%convert_element_type3A_402], %gather3A_403 masked %and3A_418 : memref<5120xf32, #tpu.memory_space<vmem>>[vector<16xi32>], vector<16xf32>, vector<16xi1>
      tpu.vector_store_idx %arg7[%convert_element_type3A_402], %broadcast_in_dim3A_400 masked %and3A_418 : memref<5120xi32, #tpu.memory_space<vmem>>[vector<16xi32>], vector<16xi32>, vector<16xi1>
      %broadcast_in_dim3A_419 = arith.constant 20 : i32
      %broadcast_in_dim3A_420 = vector.broadcast %broadcast_in_dim3A_419 : i32 to vector<16xi32>
      %gather3A_421 = tpu.vector_load_idx %arg5[%broadcast_in_dim3A_420, %select_n3A_16] : memref<24x32xf32, #tpu.memory_space<vmem>>[vector<16xi32>, vector<16xi32>], vector<16xf32>,
      %convert_element_type3A_422 = arith.fptosi %gather3A_421 : vector<16xf32> to vector<16xi32>
      %gather3A_423 = tpu.vector_load_idx %arg5[%broadcast_in_dim3A_420, %add3A_19] : memref<24x32xf32, #tpu.memory_space<vmem>>[vector<16xi32>, vector<16xi32>], vector<16xf32>,
      %gather3A_424 = tpu.vector_load_idx %arg5[%broadcast_in_dim3A_420, %broadcast_in_dim3A_20] : memref<24x32xf32, #tpu.memory_space<vmem>>[vector<16xi32>, vector<16xi32>], vector<16xf32>,
      %gather3A_425 = tpu.vector_load_idx %arg6[%convert_element_type3A_422] : memref<5120xf32, #tpu.memory_space<vmem>>[vector<16xi32>], vector<16xf32>,
      %gather3A_426 = tpu.vector_load_idx %arg7[%convert_element_type3A_422] : memref<5120xi32, #tpu.memory_space<vmem>>[vector<16xi32>], vector<16xi32>,
      %lt3A_427 = arith.constant 4 : i32
      %lt3A_428 = vector.broadcast %lt3A_427 : i32 to vector<16xi32>
      %lt3A_429 = arith.cmpi slt, %iota3A, %lt3A_428 : vector<16xi32>
      %convert_element_type3A_430 = arith.sitofp %iota3A : vector<16xi32> to vector<16xf32>
      %lt3A_431 = arith.cmpf olt, %convert_element_type3A_430, %gather3A_424 : vector<16xf32>
      %and3A_432 = arith.andi %lt3A_429, %lt3A_431 : vector<16xi1>
      %lt3A_433 = arith.constant 0 : i32
      %lt3A_434 = vector.broadcast %lt3A_433 : i32 to vector<16xi32>
      %lt3A_435 = arith.cmpi slt, %gather3A_426, %lt3A_434 : vector<16xi32>
      %lt3A_436 = arith.cmpf olt, %gather3A_423, %gather3A_425 : vector<16xf32>
      %or3A_437 = arith.ori %lt3A_435, %lt3A_436 : vector<16xi1>
      %and3A_438 = arith.andi %and3A_432, %or3A_437 : vector<16xi1>
      tpu.vector_store_idx %arg6[%convert_element_type3A_422], %gather3A_423 masked %and3A_438 : memref<5120xf32, #tpu.memory_space<vmem>>[vector<16xi32>], vector<16xf32>, vector<16xi1>
      tpu.vector_store_idx %arg7[%convert_element_type3A_422], %broadcast_in_dim3A_420 masked %and3A_438 : memref<5120xi32, #tpu.memory_space<vmem>>[vector<16xi32>], vector<16xi32>, vector<16xi1>
      %broadcast_in_dim3A_439 = arith.constant 21 : i32
      %broadcast_in_dim3A_440 = vector.broadcast %broadcast_in_dim3A_439 : i32 to vector<16xi32>
      %gather3A_441 = tpu.vector_load_idx %arg5[%broadcast_in_dim3A_440, %select_n3A_16] : memref<24x32xf32, #tpu.memory_space<vmem>>[vector<16xi32>, vector<16xi32>], vector<16xf32>,
      %convert_element_type3A_442 = arith.fptosi %gather3A_441 : vector<16xf32> to vector<16xi32>
      %gather3A_443 = tpu.vector_load_idx %arg5[%broadcast_in_dim3A_440, %add3A_19] : memref<24x32xf32, #tpu.memory_space<vmem>>[vector<16xi32>, vector<16xi32>], vector<16xf32>,
      %gather3A_444 = tpu.vector_load_idx %arg5[%broadcast_in_dim3A_440, %broadcast_in_dim3A_20] : memref<24x32xf32, #tpu.memory_space<vmem>>[vector<16xi32>, vector<16xi32>], vector<16xf32>,
      %gather3A_445 = tpu.vector_load_idx %arg6[%convert_element_type3A_442] : memref<5120xf32, #tpu.memory_space<vmem>>[vector<16xi32>], vector<16xf32>,
      %gather3A_446 = tpu.vector_load_idx %arg7[%convert_element_type3A_442] : memref<5120xi32, #tpu.memory_space<vmem>>[vector<16xi32>], vector<16xi32>,
      %lt3A_447 = arith.constant 4 : i32
      %lt3A_448 = vector.broadcast %lt3A_447 : i32 to vector<16xi32>
      %lt3A_449 = arith.cmpi slt, %iota3A, %lt3A_448 : vector<16xi32>
      %convert_element_type3A_450 = arith.sitofp %iota3A : vector<16xi32> to vector<16xf32>
      %lt3A_451 = arith.cmpf olt, %convert_element_type3A_450, %gather3A_444 : vector<16xf32>
      %and3A_452 = arith.andi %lt3A_449, %lt3A_451 : vector<16xi1>
      %lt3A_453 = arith.constant 0 : i32
      %lt3A_454 = vector.broadcast %lt3A_453 : i32 to vector<16xi32>
      %lt3A_455 = arith.cmpi slt, %gather3A_446, %lt3A_454 : vector<16xi32>
      %lt3A_456 = arith.cmpf olt, %gather3A_443, %gather3A_445 : vector<16xf32>
      %or3A_457 = arith.ori %lt3A_455, %lt3A_456 : vector<16xi1>
      %and3A_458 = arith.andi %and3A_452, %or3A_457 : vector<16xi1>
      tpu.vector_store_idx %arg6[%convert_element_type3A_442], %gather3A_443 masked %and3A_458 : memref<5120xf32, #tpu.memory_space<vmem>>[vector<16xi32>], vector<16xf32>, vector<16xi1>
      tpu.vector_store_idx %arg7[%convert_element_type3A_442], %broadcast_in_dim3A_440 masked %and3A_458 : memref<5120xi32, #tpu.memory_space<vmem>>[vector<16xi32>], vector<16xi32>, vector<16xi1>
      %broadcast_in_dim3A_459 = arith.constant 22 : i32
      %broadcast_in_dim3A_460 = vector.broadcast %broadcast_in_dim3A_459 : i32 to vector<16xi32>
      %gather3A_461 = tpu.vector_load_idx %arg5[%broadcast_in_dim3A_460, %select_n3A_16] : memref<24x32xf32, #tpu.memory_space<vmem>>[vector<16xi32>, vector<16xi32>], vector<16xf32>,
      %convert_element_type3A_462 = arith.fptosi %gather3A_461 : vector<16xf32> to vector<16xi32>
      %gather3A_463 = tpu.vector_load_idx %arg5[%broadcast_in_dim3A_460, %add3A_19] : memref<24x32xf32, #tpu.memory_space<vmem>>[vector<16xi32>, vector<16xi32>], vector<16xf32>,
      %gather3A_464 = tpu.vector_load_idx %arg5[%broadcast_in_dim3A_460, %broadcast_in_dim3A_20] : memref<24x32xf32, #tpu.memory_space<vmem>>[vector<16xi32>, vector<16xi32>], vector<16xf32>,
      %gather3A_465 = tpu.vector_load_idx %arg6[%convert_element_type3A_462] : memref<5120xf32, #tpu.memory_space<vmem>>[vector<16xi32>], vector<16xf32>,
      %gather3A_466 = tpu.vector_load_idx %arg7[%convert_element_type3A_462] : memref<5120xi32, #tpu.memory_space<vmem>>[vector<16xi32>], vector<16xi32>,
      %lt3A_467 = arith.constant 4 : i32
      %lt3A_468 = vector.broadcast %lt3A_467 : i32 to vector<16xi32>
      %lt3A_469 = arith.cmpi slt, %iota3A, %lt3A_468 : vector<16xi32>
      %convert_element_type3A_470 = arith.sitofp %iota3A : vector<16xi32> to vector<16xf32>
      %lt3A_471 = arith.cmpf olt, %convert_element_type3A_470, %gather3A_464 : vector<16xf32>
      %and3A_472 = arith.andi %lt3A_469, %lt3A_471 : vector<16xi1>
      %lt3A_473 = arith.constant 0 : i32
      %lt3A_474 = vector.broadcast %lt3A_473 : i32 to vector<16xi32>
      %lt3A_475 = arith.cmpi slt, %gather3A_466, %lt3A_474 : vector<16xi32>
      %lt3A_476 = arith.cmpf olt, %gather3A_463, %gather3A_465 : vector<16xf32>
      %or3A_477 = arith.ori %lt3A_475, %lt3A_476 : vector<16xi1>
      %and3A_478 = arith.andi %and3A_472, %or3A_477 : vector<16xi1>
      tpu.vector_store_idx %arg6[%convert_element_type3A_462], %gather3A_463 masked %and3A_478 : memref<5120xf32, #tpu.memory_space<vmem>>[vector<16xi32>], vector<16xf32>, vector<16xi1>
      tpu.vector_store_idx %arg7[%convert_element_type3A_462], %broadcast_in_dim3A_460 masked %and3A_478 : memref<5120xi32, #tpu.memory_space<vmem>>[vector<16xi32>], vector<16xi32>, vector<16xi1>
      %broadcast_in_dim3A_479 = arith.constant 23 : i32
      %broadcast_in_dim3A_480 = vector.broadcast %broadcast_in_dim3A_479 : i32 to vector<16xi32>
      %gather3A_481 = tpu.vector_load_idx %arg5[%broadcast_in_dim3A_480, %select_n3A_16] : memref<24x32xf32, #tpu.memory_space<vmem>>[vector<16xi32>, vector<16xi32>], vector<16xf32>,
      %convert_element_type3A_482 = arith.fptosi %gather3A_481 : vector<16xf32> to vector<16xi32>
      %gather3A_483 = tpu.vector_load_idx %arg5[%broadcast_in_dim3A_480, %add3A_19] : memref<24x32xf32, #tpu.memory_space<vmem>>[vector<16xi32>, vector<16xi32>], vector<16xf32>,
      %gather3A_484 = tpu.vector_load_idx %arg5[%broadcast_in_dim3A_480, %broadcast_in_dim3A_20] : memref<24x32xf32, #tpu.memory_space<vmem>>[vector<16xi32>, vector<16xi32>], vector<16xf32>,
      %gather3A_485 = tpu.vector_load_idx %arg6[%convert_element_type3A_482] : memref<5120xf32, #tpu.memory_space<vmem>>[vector<16xi32>], vector<16xf32>,
      %gather3A_486 = tpu.vector_load_idx %arg7[%convert_element_type3A_482] : memref<5120xi32, #tpu.memory_space<vmem>>[vector<16xi32>], vector<16xi32>,
      %lt3A_487 = arith.constant 4 : i32
      %lt3A_488 = vector.broadcast %lt3A_487 : i32 to vector<16xi32>
      %lt3A_489 = arith.cmpi slt, %iota3A, %lt3A_488 : vector<16xi32>
      %convert_element_type3A_490 = arith.sitofp %iota3A : vector<16xi32> to vector<16xf32>
      %lt3A_491 = arith.cmpf olt, %convert_element_type3A_490, %gather3A_484 : vector<16xf32>
      %and3A_492 = arith.andi %lt3A_489, %lt3A_491 : vector<16xi1>
      %lt3A_493 = arith.constant 0 : i32
      %lt3A_494 = vector.broadcast %lt3A_493 : i32 to vector<16xi32>
      %lt3A_495 = arith.cmpi slt, %gather3A_486, %lt3A_494 : vector<16xi32>
      %lt3A_496 = arith.cmpf olt, %gather3A_483, %gather3A_485 : vector<16xf32>
      %or3A_497 = arith.ori %lt3A_495, %lt3A_496 : vector<16xi1>
      %and3A_498 = arith.andi %and3A_492, %or3A_497 : vector<16xi1>
      tpu.vector_store_idx %arg6[%convert_element_type3A_482], %gather3A_483 masked %and3A_498 : memref<5120xf32, #tpu.memory_space<vmem>>[vector<16xi32>], vector<16xf32>, vector<16xi1>
      tpu.vector_store_idx %arg7[%convert_element_type3A_482], %broadcast_in_dim3A_480 masked %and3A_498 : memref<5120xi32, #tpu.memory_space<vmem>>[vector<16xi32>], vector<16xi32>, vector<16xi1>
      "tpu.region"() ({
        %run_scoped3A = tpu.sem_alloc : memref<!tpu.dma_semaphore, #tpu.memory_space<semaphore_mem>>
        %dma_start3A = arith.constant 0 : i32
        %dma_start3A_499 = tpu.memref_slice %arg4[%arg0, %dma_start3A] : memref<2x5120xi32, #tpu.memory_space<hbm>> -> memref<1x5120xi32, #tpu.memory_space<hbm>>
        %dma_start3A_500 = tpu.memref_squeeze %dma_start3A_499 : memref<1x5120xi32, #tpu.memory_space<hbm>> -> memref<5120xi32, #tpu.memory_space<hbm>>
        %dma_start3A_501 = arith.constant 0 : i32
        %dma_start3A_502 = tpu.memref_slice %arg4[%arg0, %dma_start3A_501] : memref<2x5120xi32, #tpu.memory_space<hbm>> -> memref<1x5120xi32, #tpu.memory_space<hbm>>
        %dma_start3A_503 = tpu.memref_squeeze %dma_start3A_502 : memref<1x5120xi32, #tpu.memory_space<hbm>> -> memref<5120xi32, #tpu.memory_space<hbm>>
        tpu.enqueue_dma source(%arg7 : memref<5120xi32, #tpu.memory_space<vmem>>) target(%dma_start3A_503 : memref<5120xi32, #tpu.memory_space<hbm>>) target_semaphore(%run_scoped3A : memref<!tpu.dma_semaphore, #tpu.memory_space<semaphore_mem>>)
        %dma_wait3A = arith.constant 0 : i32
        %dma_wait3A_504 = tpu.memref_slice %arg4[%arg0, %dma_wait3A] : memref<2x5120xi32, #tpu.memory_space<hbm>> -> memref<1x5120xi32, #tpu.memory_space<hbm>>
        %dma_wait3A_505 = tpu.memref_squeeze %dma_wait3A_504 : memref<1x5120xi32, #tpu.memory_space<hbm>> -> memref<5120xi32, #tpu.memory_space<hbm>>
        %dma_wait3A_506 = arith.constant 0 : i32
        %dma_wait3A_507 = tpu.memref_slice %arg4[%arg0, %dma_wait3A_506] : memref<2x5120xi32, #tpu.memory_space<hbm>> -> memref<1x5120xi32, #tpu.memory_space<hbm>>
        %dma_wait3A_508 = tpu.memref_squeeze %dma_wait3A_507 : memref<1x5120xi32, #tpu.memory_space<hbm>> -> memref<5120xi32, #tpu.memory_space<hbm>>
        tpu.wait_dma2 semaphore(%run_scoped3A : memref<!tpu.dma_semaphore, #tpu.memory_space<semaphore_mem>>) src(%arg7 : memref<5120xi32, #tpu.memory_space<vmem>>) dst(%dma_wait3A_508 : memref<5120xi32, #tpu.memory_space<hbm>>)
        tpu.yield
      }) : () -> ()
    } else {
    }
    return
  }
}

module attributes {stable_mosaic.version = 14 : i64} {
  func.func @_cost_kernel(%arg0: i32, %arg1: memref<3xf32, #tpu.memory_space<smem>>, %arg2: memref<1x78x5000xf32, #tpu.memory_space<vmem>>, %arg3: memref<1x24x78xf32, #tpu.memory_space<vmem>>, %arg4: memref<1x78x24xf32, #tpu.memory_space<vmem>>, %arg5: memref<1x24x1xf32, #tpu.memory_space<vmem>>, %arg6: memref<1x24x32xf32, #tpu.memory_space<vmem>>) attributes {dimension_semantics = [#tpu.dimension_semantics<arbitrary>], iteration_bounds = array<i64: 2>, scalar_prefetch = 0 : i64, scratch_operands = 0 : i64, tpu.core_type = #tpu.core_type<tc>, window_params = [{transform_indices = @transform_0, window_bounds = array<i64: 3>}, {transform_indices = @transform_1, window_bounds = array<i64: 1, 78, 5000>}, {transform_indices = @transform_2, window_bounds = array<i64: 1, 24, 78>}, {transform_indices = @transform_3, window_bounds = array<i64: 1, 78, 24>}, {transform_indices = @transform_4, window_bounds = array<i64: 1, 24, 1>}, {transform_indices = @transform_5, window_bounds = array<i64: 1, 24, 32>}]} {
    %get3A = arith.constant 0 : index
    %get3A_0 = memref.load %arg1[%get3A] : memref<3xf32, #tpu.memory_space<smem>>
    %get3A_1 = arith.constant 1 : index
    %get3A_2 = memref.load %arg1[%get3A_1] : memref<3xf32, #tpu.memory_space<smem>>
    %get3A_3 = arith.constant 2 : index
    %get3A_4 = memref.load %arg1[%get3A_3] : memref<3xf32, #tpu.memory_space<smem>>
    %get3A_5 = arith.constant 0 : index
    %get3A_6 = arith.constant 6 : index
    %get3A_7 = arith.constant 0 : index
    %get3A_8 = vector.load %arg2[%get3A_5, %get3A_6, %get3A_7] : memref<1x78x5000xf32, #tpu.memory_space<vmem>>, vector<1x72x5000xf32>
    %get3A_9 = vector.shape_cast %get3A_8 : vector<1x72x5000xf32> to vector<72x5000xf32>
    %mul3A = vector.broadcast %get3A_0 : f32 to vector<72x5000xf32>
    %mul3A_10 = arith.mulf %get3A_9, %mul3A : vector<72x5000xf32>
    %get3A_11 = arith.constant 0 : index
    %get3A_12 = arith.constant 2 : index
    %get3A_13 = arith.constant 0 : index
    %get3A_14 = vector.load %arg2[%get3A_11, %get3A_12, %get3A_13] : memref<1x78x5000xf32, #tpu.memory_space<vmem>>, vector<1x1x5000xf32>
    %get3A_15 = vector.shape_cast %get3A_14 : vector<1x1x5000xf32> to vector<1x5000xf32>
    %mul3A_16 = vector.broadcast %get3A_2 : f32 to vector<1x5000xf32>
    %mul3A_17 = arith.mulf %get3A_15, %mul3A_16 : vector<1x5000xf32>
    %get3A_18 = arith.constant 0 : index
    %get3A_19 = arith.constant 3 : index
    %get3A_20 = arith.constant 0 : index
    %get3A_21 = vector.load %arg2[%get3A_18, %get3A_19, %get3A_20] : memref<1x78x5000xf32, #tpu.memory_space<vmem>>, vector<1x1x5000xf32>
    %get3A_22 = vector.shape_cast %get3A_21 : vector<1x1x5000xf32> to vector<1x5000xf32>
    %mul3A_23 = vector.broadcast %get3A_0 : f32 to vector<1x5000xf32>
    %mul3A_24 = arith.mulf %get3A_22, %mul3A_23 : vector<1x5000xf32>
    %get3A_25 = arith.constant 0 : index
    %get3A_26 = arith.constant 4 : index
    %get3A_27 = arith.constant 0 : index
    %get3A_28 = vector.load %arg2[%get3A_25, %get3A_26, %get3A_27] : memref<1x78x5000xf32, #tpu.memory_space<vmem>>, vector<1x1x5000xf32>
    %get3A_29 = vector.shape_cast %get3A_28 : vector<1x1x5000xf32> to vector<1x5000xf32>
    %get3A_30 = arith.constant 0 : index
    %get3A_31 = arith.constant 0 : index
    %get3A_32 = arith.constant 0 : index
    %get3A_33 = vector.load %arg2[%get3A_30, %get3A_31, %get3A_32] : memref<1x78x5000xf32, #tpu.memory_space<vmem>>, vector<1x1x5000xf32>
    %get3A_34 = vector.shape_cast %get3A_33 : vector<1x1x5000xf32> to vector<1x5000xf32>
    %get3A_35 = arith.constant 0 : index
    %get3A_36 = arith.constant 1 : index
    %get3A_37 = arith.constant 0 : index
    %get3A_38 = vector.load %arg2[%get3A_35, %get3A_36, %get3A_37] : memref<1x78x5000xf32, #tpu.memory_space<vmem>>, vector<1x1x5000xf32>
    %get3A_39 = vector.shape_cast %get3A_38 : vector<1x1x5000xf32> to vector<1x5000xf32>
    %get3A_40 = arith.constant 0 : index
    %get3A_41 = arith.constant 0 : index
    %get3A_42 = arith.constant 2 : index
    %get3A_43 = vector.load %arg3[%get3A_40, %get3A_41, %get3A_42] : memref<1x24x78xf32, #tpu.memory_space<vmem>>, vector<1x24x1xf32>
    %get3A_44 = vector.shape_cast %get3A_43 : vector<1x24x1xf32> to vector<24x1xf32>
    %mul3A_45 = vector.broadcast %get3A_2 : f32 to vector<24x1xf32>
    %mul3A_46 = arith.mulf %get3A_44, %mul3A_45 : vector<24x1xf32>
    %get3A_47 = arith.constant 0 : index
    %get3A_48 = arith.constant 0 : index
    %get3A_49 = arith.constant 3 : index
    %get3A_50 = vector.load %arg3[%get3A_47, %get3A_48, %get3A_49] : memref<1x24x78xf32, #tpu.memory_space<vmem>>, vector<1x24x1xf32>
    %get3A_51 = vector.shape_cast %get3A_50 : vector<1x24x1xf32> to vector<24x1xf32>
    %mul3A_52 = vector.broadcast %get3A_0 : f32 to vector<24x1xf32>
    %mul3A_53 = arith.mulf %get3A_51, %mul3A_52 : vector<24x1xf32>
    %get3A_54 = arith.constant 0 : index
    %get3A_55 = arith.constant 0 : index
    %get3A_56 = arith.constant 4 : index
    %get3A_57 = vector.load %arg3[%get3A_54, %get3A_55, %get3A_56] : memref<1x24x78xf32, #tpu.memory_space<vmem>>, vector<1x24x1xf32>
    %get3A_58 = vector.shape_cast %get3A_57 : vector<1x24x1xf32> to vector<24x1xf32>
    %get3A_59 = arith.constant 0 : index
    %get3A_60 = arith.constant 0 : index
    %get3A_61 = arith.constant 1 : index
    %get3A_62 = vector.load %arg3[%get3A_59, %get3A_60, %get3A_61] : memref<1x24x78xf32, #tpu.memory_space<vmem>>, vector<1x24x1xf32>
    %get3A_63 = vector.shape_cast %get3A_62 : vector<1x24x1xf32> to vector<24x1xf32>
    %convert_element_type3A = arith.fptosi %get3A_63 : vector<24x1xf32> to vector<24x1xi32>
    %eq3A = arith.constant 0 : i32
    %eq3A_64 = vector.broadcast %eq3A : i32 to vector<24x1xi32>
    %eq3A_65 = arith.cmpi eq, %convert_element_type3A, %eq3A_64 : vector<24x1xi32>
    %get3A_66 = arith.constant 0 : index
    %get3A_67 = arith.constant 0 : index
    %get3A_68 = arith.constant 6 : index
    %get3A_69 = vector.load %arg3[%get3A_66, %get3A_67, %get3A_68] : memref<1x24x78xf32, #tpu.memory_space<vmem>>, vector<1x24x72xf32>
    %get3A_70 = vector.shape_cast %get3A_69 : vector<1x24x72xf32> to vector<24x72xf32>
    %mul3A_71 = vector.broadcast %get3A_0 : f32 to vector<24x72xf32>
    %mul3A_72 = arith.mulf %get3A_70, %mul3A_71 : vector<24x72xf32>
    %ge3A = arith.constant 0.000000e+00 : f32
    %ge3A_73 = vector.broadcast %ge3A : f32 to vector<24x72xf32>
    %ge3A_74 = arith.cmpf oge, %mul3A_72, %ge3A_73 : vector<24x72xf32>
    %lt3A = vector.broadcast %get3A_4 : f32 to vector<24x72xf32>
    %lt3A_75 = arith.cmpf olt, %mul3A_72, %lt3A : vector<24x72xf32>
    %and3A = arith.andi %ge3A_74, %lt3A_75 : vector<24x72xi1>
    %convert_element_type3A_76 = arith.extui %and3A : vector<24x72xi1> to vector<24x72xi32>
    %convert_element_type3A_77 = arith.sitofp %convert_element_type3A_76 : vector<24x72xi32> to vector<24x72xf32>
    %reduce_sum3A = arith.constant dense<0.000000e+00> : vector<24xf32>
    %reduce_sum3A_78 = vector.multi_reduction <add>, %convert_element_type3A_77, %reduce_sum3A [1] : vector<24x72xf32> to vector<24xf32>
    %broadcast_in_dim3A = vector.shape_cast %reduce_sum3A_78 : vector<24xf32> to vector<24x1xf32>
    %get3A_79 = arith.constant 0 : index
    %get3A_80 = arith.constant 6 : index
    %get3A_81 = arith.constant 0 : index
    %get3A_82 = vector.load %arg4[%get3A_79, %get3A_80, %get3A_81] : memref<1x78x24xf32, #tpu.memory_space<vmem>>, vector<1x72x24xf32>
    %get3A_83 = vector.shape_cast %get3A_82 : vector<1x72x24xf32> to vector<72x24xf32>
    %mul3A_84 = vector.broadcast %get3A_0 : f32 to vector<72x24xf32>
    %mul3A_85 = arith.mulf %get3A_83, %mul3A_84 : vector<72x24xf32>
    %ge3A_86 = arith.constant 0.000000e+00 : f32
    %ge3A_87 = vector.broadcast %ge3A_86 : f32 to vector<72x24xf32>
    %ge3A_88 = arith.cmpf oge, %mul3A_85, %ge3A_87 : vector<72x24xf32>
    %lt3A_89 = vector.broadcast %get3A_4 : f32 to vector<72x24xf32>
    %lt3A_90 = arith.cmpf olt, %mul3A_85, %lt3A_89 : vector<72x24xf32>
    %and3A_91 = arith.andi %ge3A_88, %lt3A_90 : vector<72x24xi1>
    %convert_element_type3A_92 = arith.extui %and3A_91 : vector<72x24xi1> to vector<72x24xi32>
    %convert_element_type3A_93 = arith.sitofp %convert_element_type3A_92 : vector<72x24xi32> to vector<72x24xf32>
    %slice3A = vector.extract_strided_slice %mul3A_85 {offsets = [0, 0], sizes = [72, 1], strides = [1, 1]} : vector<72x24xf32> to vector<72x1xf32>
    %sub3A = vector.broadcast %slice3A : vector<72x1xf32> to vector<72x5000xf32>
    %sub3A_94 = arith.subf %mul3A_10, %sub3A : vector<72x5000xf32>
    %abs3A = math.absf %sub3A_94 : vector<72x5000xf32>
    %slice3A_95 = vector.extract_strided_slice %convert_element_type3A_93 {offsets = [0, 0], sizes = [72, 1], strides = [1, 1]} : vector<72x24xf32> to vector<72x1xf32>
    %mul3A_96 = vector.broadcast %slice3A_95 : vector<72x1xf32> to vector<72x5000xf32>
    %mul3A_97 = arith.mulf %abs3A, %mul3A_96 : vector<72x5000xf32>
    %reduce_sum3A_98 = arith.constant dense<0.000000e+00> : vector<5000xf32>
    %reduce_sum3A_99 = vector.multi_reduction <add>, %mul3A_97, %reduce_sum3A_98 [0] : vector<72x5000xf32> to vector<5000xf32>
    %broadcast_in_dim3A_100 = vector.shape_cast %reduce_sum3A_99 : vector<5000xf32> to vector<1x5000xf32>
    %slice3A_101 = vector.extract_strided_slice %mul3A_85 {offsets = [0, 1], sizes = [72, 1], strides = [1, 1]} : vector<72x24xf32> to vector<72x1xf32>
    %sub3A_102 = vector.broadcast %slice3A_101 : vector<72x1xf32> to vector<72x5000xf32>
    %sub3A_103 = arith.subf %mul3A_10, %sub3A_102 : vector<72x5000xf32>
    %abs3A_104 = math.absf %sub3A_103 : vector<72x5000xf32>
    %slice3A_105 = vector.extract_strided_slice %convert_element_type3A_93 {offsets = [0, 1], sizes = [72, 1], strides = [1, 1]} : vector<72x24xf32> to vector<72x1xf32>
    %mul3A_106 = vector.broadcast %slice3A_105 : vector<72x1xf32> to vector<72x5000xf32>
    %mul3A_107 = arith.mulf %abs3A_104, %mul3A_106 : vector<72x5000xf32>
    %reduce_sum3A_108 = arith.constant dense<0.000000e+00> : vector<5000xf32>
    %reduce_sum3A_109 = vector.multi_reduction <add>, %mul3A_107, %reduce_sum3A_108 [0] : vector<72x5000xf32> to vector<5000xf32>
    %broadcast_in_dim3A_110 = vector.shape_cast %reduce_sum3A_109 : vector<5000xf32> to vector<1x5000xf32>
    %slice3A_111 = vector.extract_strided_slice %mul3A_85 {offsets = [0, 2], sizes = [72, 1], strides = [1, 1]} : vector<72x24xf32> to vector<72x1xf32>
    %sub3A_112 = vector.broadcast %slice3A_111 : vector<72x1xf32> to vector<72x5000xf32>
    %sub3A_113 = arith.subf %mul3A_10, %sub3A_112 : vector<72x5000xf32>
    %abs3A_114 = math.absf %sub3A_113 : vector<72x5000xf32>
    %slice3A_115 = vector.extract_strided_slice %convert_element_type3A_93 {offsets = [0, 2], sizes = [72, 1], strides = [1, 1]} : vector<72x24xf32> to vector<72x1xf32>
    %mul3A_116 = vector.broadcast %slice3A_115 : vector<72x1xf32> to vector<72x5000xf32>
    %mul3A_117 = arith.mulf %abs3A_114, %mul3A_116 : vector<72x5000xf32>
    %reduce_sum3A_118 = arith.constant dense<0.000000e+00> : vector<5000xf32>
    %reduce_sum3A_119 = vector.multi_reduction <add>, %mul3A_117, %reduce_sum3A_118 [0] : vector<72x5000xf32> to vector<5000xf32>
    %broadcast_in_dim3A_120 = vector.shape_cast %reduce_sum3A_119 : vector<5000xf32> to vector<1x5000xf32>
    %slice3A_121 = vector.extract_strided_slice %mul3A_85 {offsets = [0, 3], sizes = [72, 1], strides = [1, 1]} : vector<72x24xf32> to vector<72x1xf32>
    %sub3A_122 = vector.broadcast %slice3A_121 : vector<72x1xf32> to vector<72x5000xf32>
    %sub3A_123 = arith.subf %mul3A_10, %sub3A_122 : vector<72x5000xf32>
    %abs3A_124 = math.absf %sub3A_123 : vector<72x5000xf32>
    %slice3A_125 = vector.extract_strided_slice %convert_element_type3A_93 {offsets = [0, 3], sizes = [72, 1], strides = [1, 1]} : vector<72x24xf32> to vector<72x1xf32>
    %mul3A_126 = vector.broadcast %slice3A_125 : vector<72x1xf32> to vector<72x5000xf32>
    %mul3A_127 = arith.mulf %abs3A_124, %mul3A_126 : vector<72x5000xf32>
    %reduce_sum3A_128 = arith.constant dense<0.000000e+00> : vector<5000xf32>
    %reduce_sum3A_129 = vector.multi_reduction <add>, %mul3A_127, %reduce_sum3A_128 [0] : vector<72x5000xf32> to vector<5000xf32>
    %broadcast_in_dim3A_130 = vector.shape_cast %reduce_sum3A_129 : vector<5000xf32> to vector<1x5000xf32>
    %slice3A_131 = vector.extract_strided_slice %mul3A_85 {offsets = [0, 4], sizes = [72, 1], strides = [1, 1]} : vector<72x24xf32> to vector<72x1xf32>
    %sub3A_132 = vector.broadcast %slice3A_131 : vector<72x1xf32> to vector<72x5000xf32>
    %sub3A_133 = arith.subf %mul3A_10, %sub3A_132 : vector<72x5000xf32>
    %abs3A_134 = math.absf %sub3A_133 : vector<72x5000xf32>
    %slice3A_135 = vector.extract_strided_slice %convert_element_type3A_93 {offsets = [0, 4], sizes = [72, 1], strides = [1, 1]} : vector<72x24xf32> to vector<72x1xf32>
    %mul3A_136 = vector.broadcast %slice3A_135 : vector<72x1xf32> to vector<72x5000xf32>
    %mul3A_137 = arith.mulf %abs3A_134, %mul3A_136 : vector<72x5000xf32>
    %reduce_sum3A_138 = arith.constant dense<0.000000e+00> : vector<5000xf32>
    %reduce_sum3A_139 = vector.multi_reduction <add>, %mul3A_137, %reduce_sum3A_138 [0] : vector<72x5000xf32> to vector<5000xf32>
    %broadcast_in_dim3A_140 = vector.shape_cast %reduce_sum3A_139 : vector<5000xf32> to vector<1x5000xf32>
    %slice3A_141 = vector.extract_strided_slice %mul3A_85 {offsets = [0, 5], sizes = [72, 1], strides = [1, 1]} : vector<72x24xf32> to vector<72x1xf32>
    %sub3A_142 = vector.broadcast %slice3A_141 : vector<72x1xf32> to vector<72x5000xf32>
    %sub3A_143 = arith.subf %mul3A_10, %sub3A_142 : vector<72x5000xf32>
    %abs3A_144 = math.absf %sub3A_143 : vector<72x5000xf32>
    %slice3A_145 = vector.extract_strided_slice %convert_element_type3A_93 {offsets = [0, 5], sizes = [72, 1], strides = [1, 1]} : vector<72x24xf32> to vector<72x1xf32>
    %mul3A_146 = vector.broadcast %slice3A_145 : vector<72x1xf32> to vector<72x5000xf32>
    %mul3A_147 = arith.mulf %abs3A_144, %mul3A_146 : vector<72x5000xf32>
    %reduce_sum3A_148 = arith.constant dense<0.000000e+00> : vector<5000xf32>
    %reduce_sum3A_149 = vector.multi_reduction <add>, %mul3A_147, %reduce_sum3A_148 [0] : vector<72x5000xf32> to vector<5000xf32>
    %broadcast_in_dim3A_150 = vector.shape_cast %reduce_sum3A_149 : vector<5000xf32> to vector<1x5000xf32>
    %slice3A_151 = vector.extract_strided_slice %mul3A_85 {offsets = [0, 6], sizes = [72, 1], strides = [1, 1]} : vector<72x24xf32> to vector<72x1xf32>
    %sub3A_152 = vector.broadcast %slice3A_151 : vector<72x1xf32> to vector<72x5000xf32>
    %sub3A_153 = arith.subf %mul3A_10, %sub3A_152 : vector<72x5000xf32>
    %abs3A_154 = math.absf %sub3A_153 : vector<72x5000xf32>
    %slice3A_155 = vector.extract_strided_slice %convert_element_type3A_93 {offsets = [0, 6], sizes = [72, 1], strides = [1, 1]} : vector<72x24xf32> to vector<72x1xf32>
    %mul3A_156 = vector.broadcast %slice3A_155 : vector<72x1xf32> to vector<72x5000xf32>
    %mul3A_157 = arith.mulf %abs3A_154, %mul3A_156 : vector<72x5000xf32>
    %reduce_sum3A_158 = arith.constant dense<0.000000e+00> : vector<5000xf32>
    %reduce_sum3A_159 = vector.multi_reduction <add>, %mul3A_157, %reduce_sum3A_158 [0] : vector<72x5000xf32> to vector<5000xf32>
    %broadcast_in_dim3A_160 = vector.shape_cast %reduce_sum3A_159 : vector<5000xf32> to vector<1x5000xf32>
    %slice3A_161 = vector.extract_strided_slice %mul3A_85 {offsets = [0, 7], sizes = [72, 1], strides = [1, 1]} : vector<72x24xf32> to vector<72x1xf32>
    %sub3A_162 = vector.broadcast %slice3A_161 : vector<72x1xf32> to vector<72x5000xf32>
    %sub3A_163 = arith.subf %mul3A_10, %sub3A_162 : vector<72x5000xf32>
    %abs3A_164 = math.absf %sub3A_163 : vector<72x5000xf32>
    %slice3A_165 = vector.extract_strided_slice %convert_element_type3A_93 {offsets = [0, 7], sizes = [72, 1], strides = [1, 1]} : vector<72x24xf32> to vector<72x1xf32>
    %mul3A_166 = vector.broadcast %slice3A_165 : vector<72x1xf32> to vector<72x5000xf32>
    %mul3A_167 = arith.mulf %abs3A_164, %mul3A_166 : vector<72x5000xf32>
    %reduce_sum3A_168 = arith.constant dense<0.000000e+00> : vector<5000xf32>
    %reduce_sum3A_169 = vector.multi_reduction <add>, %mul3A_167, %reduce_sum3A_168 [0] : vector<72x5000xf32> to vector<5000xf32>
    %broadcast_in_dim3A_170 = vector.shape_cast %reduce_sum3A_169 : vector<5000xf32> to vector<1x5000xf32>
    %slice3A_171 = vector.extract_strided_slice %mul3A_85 {offsets = [0, 8], sizes = [72, 1], strides = [1, 1]} : vector<72x24xf32> to vector<72x1xf32>
    %sub3A_172 = vector.broadcast %slice3A_171 : vector<72x1xf32> to vector<72x5000xf32>
    %sub3A_173 = arith.subf %mul3A_10, %sub3A_172 : vector<72x5000xf32>
    %abs3A_174 = math.absf %sub3A_173 : vector<72x5000xf32>
    %slice3A_175 = vector.extract_strided_slice %convert_element_type3A_93 {offsets = [0, 8], sizes = [72, 1], strides = [1, 1]} : vector<72x24xf32> to vector<72x1xf32>
    %mul3A_176 = vector.broadcast %slice3A_175 : vector<72x1xf32> to vector<72x5000xf32>
    %mul3A_177 = arith.mulf %abs3A_174, %mul3A_176 : vector<72x5000xf32>
    %reduce_sum3A_178 = arith.constant dense<0.000000e+00> : vector<5000xf32>
    %reduce_sum3A_179 = vector.multi_reduction <add>, %mul3A_177, %reduce_sum3A_178 [0] : vector<72x5000xf32> to vector<5000xf32>
    %broadcast_in_dim3A_180 = vector.shape_cast %reduce_sum3A_179 : vector<5000xf32> to vector<1x5000xf32>
    %slice3A_181 = vector.extract_strided_slice %mul3A_85 {offsets = [0, 9], sizes = [72, 1], strides = [1, 1]} : vector<72x24xf32> to vector<72x1xf32>
    %sub3A_182 = vector.broadcast %slice3A_181 : vector<72x1xf32> to vector<72x5000xf32>
    %sub3A_183 = arith.subf %mul3A_10, %sub3A_182 : vector<72x5000xf32>
    %abs3A_184 = math.absf %sub3A_183 : vector<72x5000xf32>
    %slice3A_185 = vector.extract_strided_slice %convert_element_type3A_93 {offsets = [0, 9], sizes = [72, 1], strides = [1, 1]} : vector<72x24xf32> to vector<72x1xf32>
    %mul3A_186 = vector.broadcast %slice3A_185 : vector<72x1xf32> to vector<72x5000xf32>
    %mul3A_187 = arith.mulf %abs3A_184, %mul3A_186 : vector<72x5000xf32>
    %reduce_sum3A_188 = arith.constant dense<0.000000e+00> : vector<5000xf32>
    %reduce_sum3A_189 = vector.multi_reduction <add>, %mul3A_187, %reduce_sum3A_188 [0] : vector<72x5000xf32> to vector<5000xf32>
    %broadcast_in_dim3A_190 = vector.shape_cast %reduce_sum3A_189 : vector<5000xf32> to vector<1x5000xf32>
    %slice3A_191 = vector.extract_strided_slice %mul3A_85 {offsets = [0, 10], sizes = [72, 1], strides = [1, 1]} : vector<72x24xf32> to vector<72x1xf32>
    %sub3A_192 = vector.broadcast %slice3A_191 : vector<72x1xf32> to vector<72x5000xf32>
    %sub3A_193 = arith.subf %mul3A_10, %sub3A_192 : vector<72x5000xf32>
    %abs3A_194 = math.absf %sub3A_193 : vector<72x5000xf32>
    %slice3A_195 = vector.extract_strided_slice %convert_element_type3A_93 {offsets = [0, 10], sizes = [72, 1], strides = [1, 1]} : vector<72x24xf32> to vector<72x1xf32>
    %mul3A_196 = vector.broadcast %slice3A_195 : vector<72x1xf32> to vector<72x5000xf32>
    %mul3A_197 = arith.mulf %abs3A_194, %mul3A_196 : vector<72x5000xf32>
    %reduce_sum3A_198 = arith.constant dense<0.000000e+00> : vector<5000xf32>
    %reduce_sum3A_199 = vector.multi_reduction <add>, %mul3A_197, %reduce_sum3A_198 [0] : vector<72x5000xf32> to vector<5000xf32>
    %broadcast_in_dim3A_200 = vector.shape_cast %reduce_sum3A_199 : vector<5000xf32> to vector<1x5000xf32>
    %slice3A_201 = vector.extract_strided_slice %mul3A_85 {offsets = [0, 11], sizes = [72, 1], strides = [1, 1]} : vector<72x24xf32> to vector<72x1xf32>
    %sub3A_202 = vector.broadcast %slice3A_201 : vector<72x1xf32> to vector<72x5000xf32>
    %sub3A_203 = arith.subf %mul3A_10, %sub3A_202 : vector<72x5000xf32>
    %abs3A_204 = math.absf %sub3A_203 : vector<72x5000xf32>
    %slice3A_205 = vector.extract_strided_slice %convert_element_type3A_93 {offsets = [0, 11], sizes = [72, 1], strides = [1, 1]} : vector<72x24xf32> to vector<72x1xf32>
    %mul3A_206 = vector.broadcast %slice3A_205 : vector<72x1xf32> to vector<72x5000xf32>
    %mul3A_207 = arith.mulf %abs3A_204, %mul3A_206 : vector<72x5000xf32>
    %reduce_sum3A_208 = arith.constant dense<0.000000e+00> : vector<5000xf32>
    %reduce_sum3A_209 = vector.multi_reduction <add>, %mul3A_207, %reduce_sum3A_208 [0] : vector<72x5000xf32> to vector<5000xf32>
    %broadcast_in_dim3A_210 = vector.shape_cast %reduce_sum3A_209 : vector<5000xf32> to vector<1x5000xf32>
    %slice3A_211 = vector.extract_strided_slice %mul3A_85 {offsets = [0, 12], sizes = [72, 1], strides = [1, 1]} : vector<72x24xf32> to vector<72x1xf32>
    %sub3A_212 = vector.broadcast %slice3A_211 : vector<72x1xf32> to vector<72x5000xf32>
    %sub3A_213 = arith.subf %mul3A_10, %sub3A_212 : vector<72x5000xf32>
    %abs3A_214 = math.absf %sub3A_213 : vector<72x5000xf32>
    %slice3A_215 = vector.extract_strided_slice %convert_element_type3A_93 {offsets = [0, 12], sizes = [72, 1], strides = [1, 1]} : vector<72x24xf32> to vector<72x1xf32>
    %mul3A_216 = vector.broadcast %slice3A_215 : vector<72x1xf32> to vector<72x5000xf32>
    %mul3A_217 = arith.mulf %abs3A_214, %mul3A_216 : vector<72x5000xf32>
    %reduce_sum3A_218 = arith.constant dense<0.000000e+00> : vector<5000xf32>
    %reduce_sum3A_219 = vector.multi_reduction <add>, %mul3A_217, %reduce_sum3A_218 [0] : vector<72x5000xf32> to vector<5000xf32>
    %broadcast_in_dim3A_220 = vector.shape_cast %reduce_sum3A_219 : vector<5000xf32> to vector<1x5000xf32>
    %slice3A_221 = vector.extract_strided_slice %mul3A_85 {offsets = [0, 13], sizes = [72, 1], strides = [1, 1]} : vector<72x24xf32> to vector<72x1xf32>
    %sub3A_222 = vector.broadcast %slice3A_221 : vector<72x1xf32> to vector<72x5000xf32>
    %sub3A_223 = arith.subf %mul3A_10, %sub3A_222 : vector<72x5000xf32>
    %abs3A_224 = math.absf %sub3A_223 : vector<72x5000xf32>
    %slice3A_225 = vector.extract_strided_slice %convert_element_type3A_93 {offsets = [0, 13], sizes = [72, 1], strides = [1, 1]} : vector<72x24xf32> to vector<72x1xf32>
    %mul3A_226 = vector.broadcast %slice3A_225 : vector<72x1xf32> to vector<72x5000xf32>
    %mul3A_227 = arith.mulf %abs3A_224, %mul3A_226 : vector<72x5000xf32>
    %reduce_sum3A_228 = arith.constant dense<0.000000e+00> : vector<5000xf32>
    %reduce_sum3A_229 = vector.multi_reduction <add>, %mul3A_227, %reduce_sum3A_228 [0] : vector<72x5000xf32> to vector<5000xf32>
    %broadcast_in_dim3A_230 = vector.shape_cast %reduce_sum3A_229 : vector<5000xf32> to vector<1x5000xf32>
    %slice3A_231 = vector.extract_strided_slice %mul3A_85 {offsets = [0, 14], sizes = [72, 1], strides = [1, 1]} : vector<72x24xf32> to vector<72x1xf32>
    %sub3A_232 = vector.broadcast %slice3A_231 : vector<72x1xf32> to vector<72x5000xf32>
    %sub3A_233 = arith.subf %mul3A_10, %sub3A_232 : vector<72x5000xf32>
    %abs3A_234 = math.absf %sub3A_233 : vector<72x5000xf32>
    %slice3A_235 = vector.extract_strided_slice %convert_element_type3A_93 {offsets = [0, 14], sizes = [72, 1], strides = [1, 1]} : vector<72x24xf32> to vector<72x1xf32>
    %mul3A_236 = vector.broadcast %slice3A_235 : vector<72x1xf32> to vector<72x5000xf32>
    %mul3A_237 = arith.mulf %abs3A_234, %mul3A_236 : vector<72x5000xf32>
    %reduce_sum3A_238 = arith.constant dense<0.000000e+00> : vector<5000xf32>
    %reduce_sum3A_239 = vector.multi_reduction <add>, %mul3A_237, %reduce_sum3A_238 [0] : vector<72x5000xf32> to vector<5000xf32>
    %broadcast_in_dim3A_240 = vector.shape_cast %reduce_sum3A_239 : vector<5000xf32> to vector<1x5000xf32>
    %slice3A_241 = vector.extract_strided_slice %mul3A_85 {offsets = [0, 15], sizes = [72, 1], strides = [1, 1]} : vector<72x24xf32> to vector<72x1xf32>
    %sub3A_242 = vector.broadcast %slice3A_241 : vector<72x1xf32> to vector<72x5000xf32>
    %sub3A_243 = arith.subf %mul3A_10, %sub3A_242 : vector<72x5000xf32>
    %abs3A_244 = math.absf %sub3A_243 : vector<72x5000xf32>
    %slice3A_245 = vector.extract_strided_slice %convert_element_type3A_93 {offsets = [0, 15], sizes = [72, 1], strides = [1, 1]} : vector<72x24xf32> to vector<72x1xf32>
    %mul3A_246 = vector.broadcast %slice3A_245 : vector<72x1xf32> to vector<72x5000xf32>
    %mul3A_247 = arith.mulf %abs3A_244, %mul3A_246 : vector<72x5000xf32>
    %reduce_sum3A_248 = arith.constant dense<0.000000e+00> : vector<5000xf32>
    %reduce_sum3A_249 = vector.multi_reduction <add>, %mul3A_247, %reduce_sum3A_248 [0] : vector<72x5000xf32> to vector<5000xf32>
    %broadcast_in_dim3A_250 = vector.shape_cast %reduce_sum3A_249 : vector<5000xf32> to vector<1x5000xf32>
    %slice3A_251 = vector.extract_strided_slice %mul3A_85 {offsets = [0, 16], sizes = [72, 1], strides = [1, 1]} : vector<72x24xf32> to vector<72x1xf32>
    %sub3A_252 = vector.broadcast %slice3A_251 : vector<72x1xf32> to vector<72x5000xf32>
    %sub3A_253 = arith.subf %mul3A_10, %sub3A_252 : vector<72x5000xf32>
    %abs3A_254 = math.absf %sub3A_253 : vector<72x5000xf32>
    %slice3A_255 = vector.extract_strided_slice %convert_element_type3A_93 {offsets = [0, 16], sizes = [72, 1], strides = [1, 1]} : vector<72x24xf32> to vector<72x1xf32>
    %mul3A_256 = vector.broadcast %slice3A_255 : vector<72x1xf32> to vector<72x5000xf32>
    %mul3A_257 = arith.mulf %abs3A_254, %mul3A_256 : vector<72x5000xf32>
    %reduce_sum3A_258 = arith.constant dense<0.000000e+00> : vector<5000xf32>
    %reduce_sum3A_259 = vector.multi_reduction <add>, %mul3A_257, %reduce_sum3A_258 [0] : vector<72x5000xf32> to vector<5000xf32>
    %broadcast_in_dim3A_260 = vector.shape_cast %reduce_sum3A_259 : vector<5000xf32> to vector<1x5000xf32>
    %slice3A_261 = vector.extract_strided_slice %mul3A_85 {offsets = [0, 17], sizes = [72, 1], strides = [1, 1]} : vector<72x24xf32> to vector<72x1xf32>
    %sub3A_262 = vector.broadcast %slice3A_261 : vector<72x1xf32> to vector<72x5000xf32>
    %sub3A_263 = arith.subf %mul3A_10, %sub3A_262 : vector<72x5000xf32>
    %abs3A_264 = math.absf %sub3A_263 : vector<72x5000xf32>
    %slice3A_265 = vector.extract_strided_slice %convert_element_type3A_93 {offsets = [0, 17], sizes = [72, 1], strides = [1, 1]} : vector<72x24xf32> to vector<72x1xf32>
    %mul3A_266 = vector.broadcast %slice3A_265 : vector<72x1xf32> to vector<72x5000xf32>
    %mul3A_267 = arith.mulf %abs3A_264, %mul3A_266 : vector<72x5000xf32>
    %reduce_sum3A_268 = arith.constant dense<0.000000e+00> : vector<5000xf32>
    %reduce_sum3A_269 = vector.multi_reduction <add>, %mul3A_267, %reduce_sum3A_268 [0] : vector<72x5000xf32> to vector<5000xf32>
    %broadcast_in_dim3A_270 = vector.shape_cast %reduce_sum3A_269 : vector<5000xf32> to vector<1x5000xf32>
    %slice3A_271 = vector.extract_strided_slice %mul3A_85 {offsets = [0, 18], sizes = [72, 1], strides = [1, 1]} : vector<72x24xf32> to vector<72x1xf32>
    %sub3A_272 = vector.broadcast %slice3A_271 : vector<72x1xf32> to vector<72x5000xf32>
    %sub3A_273 = arith.subf %mul3A_10, %sub3A_272 : vector<72x5000xf32>
    %abs3A_274 = math.absf %sub3A_273 : vector<72x5000xf32>
    %slice3A_275 = vector.extract_strided_slice %convert_element_type3A_93 {offsets = [0, 18], sizes = [72, 1], strides = [1, 1]} : vector<72x24xf32> to vector<72x1xf32>
    %mul3A_276 = vector.broadcast %slice3A_275 : vector<72x1xf32> to vector<72x5000xf32>
    %mul3A_277 = arith.mulf %abs3A_274, %mul3A_276 : vector<72x5000xf32>
    %reduce_sum3A_278 = arith.constant dense<0.000000e+00> : vector<5000xf32>
    %reduce_sum3A_279 = vector.multi_reduction <add>, %mul3A_277, %reduce_sum3A_278 [0] : vector<72x5000xf32> to vector<5000xf32>
    %broadcast_in_dim3A_280 = vector.shape_cast %reduce_sum3A_279 : vector<5000xf32> to vector<1x5000xf32>
    %slice3A_281 = vector.extract_strided_slice %mul3A_85 {offsets = [0, 19], sizes = [72, 1], strides = [1, 1]} : vector<72x24xf32> to vector<72x1xf32>
    %sub3A_282 = vector.broadcast %slice3A_281 : vector<72x1xf32> to vector<72x5000xf32>
    %sub3A_283 = arith.subf %mul3A_10, %sub3A_282 : vector<72x5000xf32>
    %abs3A_284 = math.absf %sub3A_283 : vector<72x5000xf32>
    %slice3A_285 = vector.extract_strided_slice %convert_element_type3A_93 {offsets = [0, 19], sizes = [72, 1], strides = [1, 1]} : vector<72x24xf32> to vector<72x1xf32>
    %mul3A_286 = vector.broadcast %slice3A_285 : vector<72x1xf32> to vector<72x5000xf32>
    %mul3A_287 = arith.mulf %abs3A_284, %mul3A_286 : vector<72x5000xf32>
    %reduce_sum3A_288 = arith.constant dense<0.000000e+00> : vector<5000xf32>
    %reduce_sum3A_289 = vector.multi_reduction <add>, %mul3A_287, %reduce_sum3A_288 [0] : vector<72x5000xf32> to vector<5000xf32>
    %broadcast_in_dim3A_290 = vector.shape_cast %reduce_sum3A_289 : vector<5000xf32> to vector<1x5000xf32>
    %slice3A_291 = vector.extract_strided_slice %mul3A_85 {offsets = [0, 20], sizes = [72, 1], strides = [1, 1]} : vector<72x24xf32> to vector<72x1xf32>
    %sub3A_292 = vector.broadcast %slice3A_291 : vector<72x1xf32> to vector<72x5000xf32>
    %sub3A_293 = arith.subf %mul3A_10, %sub3A_292 : vector<72x5000xf32>
    %abs3A_294 = math.absf %sub3A_293 : vector<72x5000xf32>
    %slice3A_295 = vector.extract_strided_slice %convert_element_type3A_93 {offsets = [0, 20], sizes = [72, 1], strides = [1, 1]} : vector<72x24xf32> to vector<72x1xf32>
    %mul3A_296 = vector.broadcast %slice3A_295 : vector<72x1xf32> to vector<72x5000xf32>
    %mul3A_297 = arith.mulf %abs3A_294, %mul3A_296 : vector<72x5000xf32>
    %reduce_sum3A_298 = arith.constant dense<0.000000e+00> : vector<5000xf32>
    %reduce_sum3A_299 = vector.multi_reduction <add>, %mul3A_297, %reduce_sum3A_298 [0] : vector<72x5000xf32> to vector<5000xf32>
    %broadcast_in_dim3A_300 = vector.shape_cast %reduce_sum3A_299 : vector<5000xf32> to vector<1x5000xf32>
    %slice3A_301 = vector.extract_strided_slice %mul3A_85 {offsets = [0, 21], sizes = [72, 1], strides = [1, 1]} : vector<72x24xf32> to vector<72x1xf32>
    %sub3A_302 = vector.broadcast %slice3A_301 : vector<72x1xf32> to vector<72x5000xf32>
    %sub3A_303 = arith.subf %mul3A_10, %sub3A_302 : vector<72x5000xf32>
    %abs3A_304 = math.absf %sub3A_303 : vector<72x5000xf32>
    %slice3A_305 = vector.extract_strided_slice %convert_element_type3A_93 {offsets = [0, 21], sizes = [72, 1], strides = [1, 1]} : vector<72x24xf32> to vector<72x1xf32>
    %mul3A_306 = vector.broadcast %slice3A_305 : vector<72x1xf32> to vector<72x5000xf32>
    %mul3A_307 = arith.mulf %abs3A_304, %mul3A_306 : vector<72x5000xf32>
    %reduce_sum3A_308 = arith.constant dense<0.000000e+00> : vector<5000xf32>
    %reduce_sum3A_309 = vector.multi_reduction <add>, %mul3A_307, %reduce_sum3A_308 [0] : vector<72x5000xf32> to vector<5000xf32>
    %broadcast_in_dim3A_310 = vector.shape_cast %reduce_sum3A_309 : vector<5000xf32> to vector<1x5000xf32>
    %slice3A_311 = vector.extract_strided_slice %mul3A_85 {offsets = [0, 22], sizes = [72, 1], strides = [1, 1]} : vector<72x24xf32> to vector<72x1xf32>
    %sub3A_312 = vector.broadcast %slice3A_311 : vector<72x1xf32> to vector<72x5000xf32>
    %sub3A_313 = arith.subf %mul3A_10, %sub3A_312 : vector<72x5000xf32>
    %abs3A_314 = math.absf %sub3A_313 : vector<72x5000xf32>
    %slice3A_315 = vector.extract_strided_slice %convert_element_type3A_93 {offsets = [0, 22], sizes = [72, 1], strides = [1, 1]} : vector<72x24xf32> to vector<72x1xf32>
    %mul3A_316 = vector.broadcast %slice3A_315 : vector<72x1xf32> to vector<72x5000xf32>
    %mul3A_317 = arith.mulf %abs3A_314, %mul3A_316 : vector<72x5000xf32>
    %reduce_sum3A_318 = arith.constant dense<0.000000e+00> : vector<5000xf32>
    %reduce_sum3A_319 = vector.multi_reduction <add>, %mul3A_317, %reduce_sum3A_318 [0] : vector<72x5000xf32> to vector<5000xf32>
    %broadcast_in_dim3A_320 = vector.shape_cast %reduce_sum3A_319 : vector<5000xf32> to vector<1x5000xf32>
    %slice3A_321 = vector.extract_strided_slice %mul3A_85 {offsets = [0, 23], sizes = [72, 1], strides = [1, 1]} : vector<72x24xf32> to vector<72x1xf32>
    %sub3A_322 = vector.broadcast %slice3A_321 : vector<72x1xf32> to vector<72x5000xf32>
    %sub3A_323 = arith.subf %mul3A_10, %sub3A_322 : vector<72x5000xf32>
    %abs3A_324 = math.absf %sub3A_323 : vector<72x5000xf32>
    %slice3A_325 = vector.extract_strided_slice %convert_element_type3A_93 {offsets = [0, 23], sizes = [72, 1], strides = [1, 1]} : vector<72x24xf32> to vector<72x1xf32>
    %mul3A_326 = vector.broadcast %slice3A_325 : vector<72x1xf32> to vector<72x5000xf32>
    %mul3A_327 = arith.mulf %abs3A_324, %mul3A_326 : vector<72x5000xf32>
    %reduce_sum3A_328 = arith.constant dense<0.000000e+00> : vector<5000xf32>
    %reduce_sum3A_329 = vector.multi_reduction <add>, %mul3A_327, %reduce_sum3A_328 [0] : vector<72x5000xf32> to vector<5000xf32>
    %broadcast_in_dim3A_330 = vector.shape_cast %reduce_sum3A_329 : vector<5000xf32> to vector<1x5000xf32>
    %concatenate3A = tpu.concatenate %broadcast_in_dim3A_100, %broadcast_in_dim3A_110, %broadcast_in_dim3A_120, %broadcast_in_dim3A_130, %broadcast_in_dim3A_140, %broadcast_in_dim3A_150, %broadcast_in_dim3A_160, %broadcast_in_dim3A_170, %broadcast_in_dim3A_180, %broadcast_in_dim3A_190, %broadcast_in_dim3A_200, %broadcast_in_dim3A_210, %broadcast_in_dim3A_220, %broadcast_in_dim3A_230, %broadcast_in_dim3A_240, %broadcast_in_dim3A_250, %broadcast_in_dim3A_260, %broadcast_in_dim3A_270, %broadcast_in_dim3A_280, %broadcast_in_dim3A_290, %broadcast_in_dim3A_300, %broadcast_in_dim3A_310, %broadcast_in_dim3A_320, %broadcast_in_dim3A_330 in 0 : vector<1x5000xf32>, vector<1x5000xf32>, vector<1x5000xf32>, vector<1x5000xf32>, vector<1x5000xf32>, vector<1x5000xf32>, vector<1x5000xf32>, vector<1x5000xf32>, vector<1x5000xf32>, vector<1x5000xf32>, vector<1x5000xf32>, vector<1x5000xf32>, vector<1x5000xf32>, vector<1x5000xf32>, vector<1x5000xf32>, vector<1x5000xf32>, vector<1x5000xf32>, vector<1x5000xf32>, vector<1x5000xf32>, vector<1x5000xf32>, vector<1x5000xf32>, vector<1x5000xf32>, vector<1x5000xf32>, vector<1x5000xf32> -> vector<24x5000xf32>
    %max3A = arith.constant 1.000000e+00 : f32
    %max3A_331 = vector.broadcast %max3A : f32 to vector<24x1xf32>
    %max3A_332 = arith.maximumf %broadcast_in_dim3A, %max3A_331 : vector<24x1xf32>
    %div3A = vector.broadcast %max3A_332 : vector<24x1xf32> to vector<24x5000xf32>
    %div3A_333 = arith.divf %concatenate3A, %div3A : vector<24x5000xf32>
    %reduce_max3A = vector.shape_cast %div3A_333 : vector<24x5000xf32> to vector<1x24x5000xf32>
    %reduce_max3A_334 = arith.constant dense<0xFF800000> : vector<1xf32>
    %reduce_max3A_335 = vector.multi_reduction <maximumf>, %reduce_max3A, %reduce_max3A_334 [1, 2] : vector<1x24x5000xf32> to vector<1xf32>
    %reduce_max3A_336 = vector.shape_cast %reduce_max3A_335 : vector<1xf32> to vector<1x1x1xf32>
    %reduce_max3A_337 = vector.extract %reduce_max3A_336[0, 0, 0] : f32 from vector<1x1x1xf32>
    %max3A_338 = arith.constant 9.99999993E-9 : f32
    %max3A_339 = arith.maximumf %reduce_max3A_337, %max3A_338 : f32
    %div3A_340 = vector.broadcast %max3A_339 : f32 to vector<24x5000xf32>
    %div3A_341 = arith.divf %div3A_333, %div3A_340 : vector<24x5000xf32>
    %sub3A_342 = arith.constant 1.000000e+00 : f32
    %sub3A_343 = vector.broadcast %sub3A_342 : f32 to vector<24x5000xf32>
    %sub3A_344 = arith.subf %sub3A_343, %div3A_341 : vector<24x5000xf32>
    %add3A = arith.constant 0.00999999977 : f32
    %add3A_345 = vector.broadcast %add3A : f32 to vector<24x5000xf32>
    %add3A_346 = arith.addf %sub3A_344, %add3A_345 : vector<24x5000xf32>
    %sub3A_347 = vector.broadcast %mul3A_17 : vector<1x5000xf32> to vector<24x5000xf32>
    %sub3A_348 = vector.broadcast %mul3A_46 : vector<24x1xf32> to vector<24x5000xf32>
    %sub3A_349 = arith.subf %sub3A_347, %sub3A_348 : vector<24x5000xf32>
    %integer_pow3A = arith.mulf %sub3A_349, %sub3A_349 : vector<24x5000xf32>
    %sub3A_350 = vector.broadcast %mul3A_24 : vector<1x5000xf32> to vector<24x5000xf32>
    %sub3A_351 = vector.broadcast %mul3A_53 : vector<24x1xf32> to vector<24x5000xf32>
    %sub3A_352 = arith.subf %sub3A_350, %sub3A_351 : vector<24x5000xf32>
    %integer_pow3A_353 = arith.mulf %sub3A_352, %sub3A_352 : vector<24x5000xf32>
    %add3A_354 = arith.addf %integer_pow3A, %integer_pow3A_353 : vector<24x5000xf32>
    %max3A_355 = arith.constant 0.000000e+00 : f32
    %max3A_356 = vector.broadcast %max3A_355 : f32 to vector<24x5000xf32>
    %max3A_357 = arith.maximumf %add3A_354, %max3A_356 : vector<24x5000xf32>
    %sqrt3A = math.sqrt %max3A_357 : vector<24x5000xf32>
    %reduce_max3A_358 = vector.shape_cast %sqrt3A : vector<24x5000xf32> to vector<1x24x5000xf32>
    %reduce_max3A_359 = arith.constant dense<0xFF800000> : vector<1xf32>
    %reduce_max3A_360 = vector.multi_reduction <maximumf>, %reduce_max3A_358, %reduce_max3A_359 [1, 2] : vector<1x24x5000xf32> to vector<1xf32>
    %reduce_max3A_361 = vector.shape_cast %reduce_max3A_360 : vector<1xf32> to vector<1x1x1xf32>
    %reduce_max3A_362 = vector.extract %reduce_max3A_361[0, 0, 0] : f32 from vector<1x1x1xf32>
    %max3A_363 = arith.constant 9.99999993E-9 : f32
    %max3A_364 = arith.maximumf %reduce_max3A_362, %max3A_363 : f32
    %div3A_365 = vector.broadcast %max3A_364 : f32 to vector<24x5000xf32>
    %div3A_366 = arith.divf %sqrt3A, %div3A_365 : vector<24x5000xf32>
    %sub3A_367 = arith.constant 1.000000e+00 : f32
    %sub3A_368 = vector.broadcast %sub3A_367 : f32 to vector<24x5000xf32>
    %sub3A_369 = arith.subf %sub3A_368, %div3A_366 : vector<24x5000xf32>
    %add3A_370 = arith.constant 0.00999999977 : f32
    %add3A_371 = vector.broadcast %add3A_370 : f32 to vector<24x5000xf32>
    %add3A_372 = arith.addf %sub3A_369, %add3A_371 : vector<24x5000xf32>
    %sub3A_373 = vector.broadcast %get3A_29 : vector<1x5000xf32> to vector<24x5000xf32>
    %sub3A_374 = vector.broadcast %get3A_58 : vector<24x1xf32> to vector<24x5000xf32>
    %sub3A_375 = arith.subf %sub3A_373, %sub3A_374 : vector<24x5000xf32>
    %abs3A_376 = math.absf %sub3A_375 : vector<24x5000xf32>
    %mul3A_377 = arith.constant 1.800000e+02 : f32
    %mul3A_378 = vector.broadcast %mul3A_377 : f32 to vector<24x5000xf32>
    %mul3A_379 = arith.mulf %abs3A_376, %mul3A_378 : vector<24x5000xf32>
    %reduce_max3A_380 = vector.shape_cast %mul3A_379 : vector<24x5000xf32> to vector<1x24x5000xf32>
    %reduce_max3A_381 = arith.constant dense<0xFF800000> : vector<1xf32>
    %reduce_max3A_382 = vector.multi_reduction <maximumf>, %reduce_max3A_380, %reduce_max3A_381 [1, 2] : vector<1x24x5000xf32> to vector<1xf32>
    %reduce_max3A_383 = vector.shape_cast %reduce_max3A_382 : vector<1xf32> to vector<1x1x1xf32>
    %reduce_max3A_384 = vector.extract %reduce_max3A_383[0, 0, 0] : f32 from vector<1x1x1xf32>
    %max3A_385 = arith.constant 9.99999993E-9 : f32
    %max3A_386 = arith.maximumf %reduce_max3A_384, %max3A_385 : f32
    %div3A_387 = vector.broadcast %max3A_386 : f32 to vector<24x5000xf32>
    %div3A_388 = arith.divf %mul3A_379, %div3A_387 : vector<24x5000xf32>
    %sub3A_389 = arith.constant 1.000000e+00 : f32
    %sub3A_390 = vector.broadcast %sub3A_389 : f32 to vector<24x5000xf32>
    %sub3A_391 = arith.subf %sub3A_390, %div3A_388 : vector<24x5000xf32>
    %add3A_392 = arith.constant 0.00999999977 : f32
    %add3A_393 = vector.broadcast %add3A_392 : f32 to vector<24x5000xf32>
    %add3A_394 = arith.addf %sub3A_391, %add3A_393 : vector<24x5000xf32>
    %max3A_395 = arith.constant 1.000000e-03 : f32
    %max3A_396 = vector.broadcast %max3A_395 : f32 to vector<24x5000xf32>
    %max3A_397 = arith.maximumf %add3A_346, %max3A_396 : vector<24x5000xf32>
    %max3A_398 = arith.constant 1.000000e-03 : f32
    %max3A_399 = vector.broadcast %max3A_398 : f32 to vector<24x5000xf32>
    %max3A_400 = arith.maximumf %add3A_372, %max3A_399 : vector<24x5000xf32>
    %mul3A_401 = arith.mulf %max3A_397, %max3A_400 : vector<24x5000xf32>
    %max3A_402 = arith.constant 1.000000e-03 : f32
    %max3A_403 = vector.broadcast %max3A_402 : f32 to vector<24x5000xf32>
    %max3A_404 = arith.maximumf %add3A_394, %max3A_403 : vector<24x5000xf32>
    %mul3A_405 = arith.mulf %mul3A_401, %max3A_404 : vector<24x5000xf32>
    %logistic3A = arith.negf %get3A_34 : vector<1x5000xf32>
    %logistic3A_406 = math.exp %logistic3A : vector<1x5000xf32>
    %logistic3A_407 = arith.constant 1.000000e+00 : f32
    %logistic3A_408 = vector.broadcast %logistic3A_407 : f32 to vector<1x5000xf32>
    %logistic3A_409 = arith.addf %logistic3A_408, %logistic3A_406 : vector<1x5000xf32>
    %logistic3A_410 = arith.divf %logistic3A_408, %logistic3A_409 : vector<1x5000xf32>
    %sub3A_411 = arith.constant 1.000000e+00 : f32
    %sub3A_412 = vector.broadcast %sub3A_411 : f32 to vector<1x5000xf32>
    %sub3A_413 = arith.subf %sub3A_412, %logistic3A_410 : vector<1x5000xf32>
    %add3A_414 = arith.constant 9.99999996E-13 : f32
    %add3A_415 = vector.broadcast %add3A_414 : f32 to vector<1x5000xf32>
    %add3A_416 = arith.addf %sub3A_413, %add3A_415 : vector<1x5000xf32>
    %log3A = math.log %add3A_416 : vector<1x5000xf32>
    %neg3A = arith.constant 0.000000e+00 : f32
    %neg3A_417 = vector.broadcast %neg3A : f32 to vector<1x5000xf32>
    %neg3A_418 = arith.subf %neg3A_417, %log3A : vector<1x5000xf32>
    %mul3A_419 = arith.constant 7.500000e-01 : f32
    %mul3A_420 = vector.broadcast %mul3A_419 : f32 to vector<1x5000xf32>
    %mul3A_421 = arith.mulf %neg3A_418, %mul3A_420 : vector<1x5000xf32>
    %mul3A_422 = arith.mulf %logistic3A_410, %logistic3A_410 : vector<1x5000xf32>
    %mul3A_423 = arith.mulf %mul3A_421, %mul3A_422 : vector<1x5000xf32>
    %add3A_424 = arith.constant 9.99999996E-13 : f32
    %add3A_425 = vector.broadcast %add3A_424 : f32 to vector<1x5000xf32>
    %add3A_426 = arith.addf %logistic3A_410, %add3A_425 : vector<1x5000xf32>
    %log3A_427 = math.log %add3A_426 : vector<1x5000xf32>
    %neg3A_428 = arith.constant 0.000000e+00 : f32
    %neg3A_429 = vector.broadcast %neg3A_428 : f32 to vector<1x5000xf32>
    %neg3A_430 = arith.subf %neg3A_429, %log3A_427 : vector<1x5000xf32>
    %mul3A_431 = arith.constant 2.500000e-01 : f32
    %mul3A_432 = vector.broadcast %mul3A_431 : f32 to vector<1x5000xf32>
    %mul3A_433 = arith.mulf %neg3A_430, %mul3A_432 : vector<1x5000xf32>
    %sub3A_434 = arith.constant 1.000000e+00 : f32
    %sub3A_435 = vector.broadcast %sub3A_434 : f32 to vector<1x5000xf32>
    %sub3A_436 = arith.subf %sub3A_435, %logistic3A_410 : vector<1x5000xf32>
    %sub3A_437 = arith.constant 1.000000e+00 : f32
    %sub3A_438 = vector.broadcast %sub3A_437 : f32 to vector<1x5000xf32>
    %sub3A_439 = arith.subf %sub3A_438, %logistic3A_410 : vector<1x5000xf32>
    %mul3A_440 = arith.mulf %sub3A_436, %sub3A_439 : vector<1x5000xf32>
    %mul3A_441 = arith.mulf %mul3A_433, %mul3A_440 : vector<1x5000xf32>
    %sub3A_442 = arith.subf %mul3A_441, %mul3A_423 : vector<1x5000xf32>
    %logistic3A_443 = arith.negf %get3A_39 : vector<1x5000xf32>
    %logistic3A_444 = math.exp %logistic3A_443 : vector<1x5000xf32>
    %logistic3A_445 = arith.constant 1.000000e+00 : f32
    %logistic3A_446 = vector.broadcast %logistic3A_445 : f32 to vector<1x5000xf32>
    %logistic3A_447 = arith.addf %logistic3A_446, %logistic3A_444 : vector<1x5000xf32>
    %logistic3A_448 = arith.divf %logistic3A_446, %logistic3A_447 : vector<1x5000xf32>
    %sub3A_449 = arith.constant 1.000000e+00 : f32
    %sub3A_450 = vector.broadcast %sub3A_449 : f32 to vector<1x5000xf32>
    %sub3A_451 = arith.subf %sub3A_450, %logistic3A_448 : vector<1x5000xf32>
    %add3A_452 = arith.constant 9.99999996E-13 : f32
    %add3A_453 = vector.broadcast %add3A_452 : f32 to vector<1x5000xf32>
    %add3A_454 = arith.addf %sub3A_451, %add3A_453 : vector<1x5000xf32>
    %log3A_455 = math.log %add3A_454 : vector<1x5000xf32>
    %neg3A_456 = arith.constant 0.000000e+00 : f32
    %neg3A_457 = vector.broadcast %neg3A_456 : f32 to vector<1x5000xf32>
    %neg3A_458 = arith.subf %neg3A_457, %log3A_455 : vector<1x5000xf32>
    %mul3A_459 = arith.constant 7.500000e-01 : f32
    %mul3A_460 = vector.broadcast %mul3A_459 : f32 to vector<1x5000xf32>
    %mul3A_461 = arith.mulf %neg3A_458, %mul3A_460 : vector<1x5000xf32>
    %mul3A_462 = arith.mulf %logistic3A_448, %logistic3A_448 : vector<1x5000xf32>
    %mul3A_463 = arith.mulf %mul3A_461, %mul3A_462 : vector<1x5000xf32>
    %add3A_464 = arith.constant 9.99999996E-13 : f32
    %add3A_465 = vector.broadcast %add3A_464 : f32 to vector<1x5000xf32>
    %add3A_466 = arith.addf %logistic3A_448, %add3A_465 : vector<1x5000xf32>
    %log3A_467 = math.log %add3A_466 : vector<1x5000xf32>
    %neg3A_468 = arith.constant 0.000000e+00 : f32
    %neg3A_469 = vector.broadcast %neg3A_468 : f32 to vector<1x5000xf32>
    %neg3A_470 = arith.subf %neg3A_469, %log3A_467 : vector<1x5000xf32>
    %mul3A_471 = arith.constant 2.500000e-01 : f32
    %mul3A_472 = vector.broadcast %mul3A_471 : f32 to vector<1x5000xf32>
    %mul3A_473 = arith.mulf %neg3A_470, %mul3A_472 : vector<1x5000xf32>
    %sub3A_474 = arith.constant 1.000000e+00 : f32
    %sub3A_475 = vector.broadcast %sub3A_474 : f32 to vector<1x5000xf32>
    %sub3A_476 = arith.subf %sub3A_475, %logistic3A_448 : vector<1x5000xf32>
    %sub3A_477 = arith.constant 1.000000e+00 : f32
    %sub3A_478 = vector.broadcast %sub3A_477 : f32 to vector<1x5000xf32>
    %sub3A_479 = arith.subf %sub3A_478, %logistic3A_448 : vector<1x5000xf32>
    %mul3A_480 = arith.mulf %sub3A_476, %sub3A_479 : vector<1x5000xf32>
    %mul3A_481 = arith.mulf %mul3A_473, %mul3A_480 : vector<1x5000xf32>
    %sub3A_482 = arith.subf %mul3A_481, %mul3A_463 : vector<1x5000xf32>
    %broadcast_in_dim3A_483 = vector.shape_cast %eq3A_65 : vector<24x1xi1> to vector<24x1xi1>
    %broadcast_in_dim3A_484 = vector.broadcast %broadcast_in_dim3A_483 : vector<24x1xi1> to vector<24x5000xi1>
    %broadcast_in_dim3A_485 = vector.shape_cast %sub3A_442 : vector<1x5000xf32> to vector<1x5000xf32>
    %broadcast_in_dim3A_486 = vector.broadcast %broadcast_in_dim3A_485 : vector<1x5000xf32> to vector<24x5000xf32>
    %broadcast_in_dim3A_487 = vector.shape_cast %sub3A_482 : vector<1x5000xf32> to vector<1x5000xf32>
    %broadcast_in_dim3A_488 = vector.broadcast %broadcast_in_dim3A_487 : vector<1x5000xf32> to vector<24x5000xf32>
    %select_n3A = arith.select %broadcast_in_dim3A_484, %broadcast_in_dim3A_486, %broadcast_in_dim3A_488 : vector<24x5000xi1>, vector<24x5000xf32>
    %mul3A_489 = arith.mulf %mul3A_405, %mul3A_405 : vector<24x5000xf32>
    %neg3A_490 = arith.constant 0.000000e+00 : f32
    %neg3A_491 = vector.broadcast %neg3A_490 : f32 to vector<24x5000xf32>
    %neg3A_492 = arith.subf %neg3A_491, %mul3A_489 : vector<24x5000xf32>
    %mul3A_493 = arith.constant 3.000000e+00 : f32
    %mul3A_494 = vector.broadcast %mul3A_493 : f32 to vector<24x5000xf32>
    %mul3A_495 = arith.mulf %neg3A_492, %mul3A_494 : vector<24x5000xf32>
    %add3A_496 = arith.addf %mul3A_495, %select_n3A : vector<24x5000xf32>
    %get3A_497 = arith.constant 0 : index
    %get3A_498 = arith.constant 0 : index
    %get3A_499 = arith.constant 0 : index
    %get3A_500 = vector.load %arg5[%get3A_497, %get3A_498, %get3A_499] : memref<1x24x1xf32, #tpu.memory_space<vmem>>, vector<1x24x1xf32>
    %get3A_501 = vector.shape_cast %get3A_500 : vector<1x24x1xf32> to vector<24x1xf32>
    %gt3A = arith.constant 0.000000e+00 : f32
    %gt3A_502 = vector.broadcast %gt3A : f32 to vector<24x1xf32>
    %gt3A_503 = arith.cmpf ogt, %get3A_501, %gt3A_502 : vector<24x1xf32>
    %jit3A = arith.constant 1.000000e+08 : f32
    %broadcast_in_dim3A_504 = vector.shape_cast %gt3A_503 : vector<24x1xi1> to vector<24x1xi1>
    %broadcast_in_dim3A_505 = vector.broadcast %broadcast_in_dim3A_504 : vector<24x1xi1> to vector<24x5000xi1>
    %broadcast_in_dim3A_506 = vector.broadcast %jit3A : f32 to vector<24x5000xf32>
    %select_n3A_507 = arith.select %broadcast_in_dim3A_505, %add3A_496, %broadcast_in_dim3A_506 : vector<24x5000xi1>, vector<24x5000xf32>
    %mul3A_508 = arith.constant 3.000000e+01 : f32
    %mul3A_509 = vector.broadcast %mul3A_508 : f32 to vector<24x1xf32>
    %mul3A_510 = arith.mulf %mul3A_509, %broadcast_in_dim3A : vector<24x1xf32>
    %sub3A_511 = vector.broadcast %mul3A_510 : vector<24x1xf32> to vector<24x5000xf32>
    %sub3A_512 = arith.subf %sub3A_511, %concatenate3A : vector<24x5000xf32>
    %mul3A_513 = arith.constant 3.000000e+01 : f32
    %mul3A_514 = vector.broadcast %mul3A_513 : f32 to vector<24x1xf32>
    %mul3A_515 = arith.mulf %mul3A_514, %broadcast_in_dim3A : vector<24x1xf32>
    %add3A_516 = vector.broadcast %mul3A_515 : vector<24x1xf32> to vector<24x5000xf32>
    %add3A_517 = arith.addf %add3A_516, %concatenate3A : vector<24x5000xf32>
    %add3A_518 = arith.constant 9.99999971E-10 : f32
    %add3A_519 = vector.broadcast %add3A_518 : f32 to vector<24x5000xf32>
    %add3A_520 = arith.addf %add3A_517, %add3A_519 : vector<24x5000xf32>
    %div3A_521 = arith.divf %sub3A_512, %add3A_520 : vector<24x5000xf32>
    %jit3A_522 = arith.constant 0.000000e+00 : f32
    %broadcast_in_dim3A_523 = vector.shape_cast %gt3A_503 : vector<24x1xi1> to vector<24x1xi1>
    %broadcast_in_dim3A_524 = vector.broadcast %broadcast_in_dim3A_523 : vector<24x1xi1> to vector<24x5000xi1>
    %broadcast_in_dim3A_525 = vector.broadcast %jit3A_522 : f32 to vector<24x5000xf32>
    %select_n3A_526 = arith.select %broadcast_in_dim3A_524, %div3A_521, %broadcast_in_dim3A_525 : vector<24x5000xi1>, vector<24x5000xf32>
    %iota3A = tpu.iota {dimensions = array<i32: 1>} : vector<1x5000xi32>
    %convert_element_type3A_527 = arith.sitofp %iota3A : vector<1x5000xi32> to vector<1x5000xf32>
    %broadcast_in_dim3A_528 = arith.constant 0.000000e+00 : f32
    %broadcast_in_dim3A_529 = vector.broadcast %broadcast_in_dim3A_528 : f32 to vector<24x1xf32>
    %reduce_max3A_530 = arith.constant dense<0xFF800000> : vector<24xf32>
    %reduce_max3A_531 = vector.multi_reduction <maximumf>, %select_n3A_526, %reduce_max3A_530 [1] : vector<24x5000xf32> to vector<24xf32>
    %broadcast_in_dim3A_532 = vector.shape_cast %reduce_max3A_531 : vector<24xf32> to vector<24x1xf32>
    %add3A_533 = arith.addf %broadcast_in_dim3A_529, %broadcast_in_dim3A_532 : vector<24x1xf32>
    %ge3A_534 = vector.broadcast %broadcast_in_dim3A_532 : vector<24x1xf32> to vector<24x5000xf32>
    %ge3A_535 = arith.cmpf oge, %select_n3A_526, %ge3A_534 : vector<24x5000xf32>
    %jit3A_536 = arith.constant 5.000000e+03 : f32
    %broadcast_in_dim3A_537 = vector.shape_cast %convert_element_type3A_527 : vector<1x5000xf32> to vector<1x5000xf32>
    %broadcast_in_dim3A_538 = vector.broadcast %broadcast_in_dim3A_537 : vector<1x5000xf32> to vector<24x5000xf32>
    %broadcast_in_dim3A_539 = vector.broadcast %jit3A_536 : f32 to vector<24x5000xf32>
    %select_n3A_540 = arith.select %ge3A_535, %broadcast_in_dim3A_538, %broadcast_in_dim3A_539 : vector<24x5000xi1>, vector<24x5000xf32>
    %reduce_min3A = arith.constant dense<0x7F800000> : vector<24xf32>
    %reduce_min3A_541 = vector.multi_reduction <minimumf>, %select_n3A_540, %reduce_min3A [1] : vector<24x5000xf32> to vector<24xf32>
    %broadcast_in_dim3A_542 = vector.shape_cast %reduce_min3A_541 : vector<24xf32> to vector<24x1xf32>
    %eq3A_543 = vector.broadcast %convert_element_type3A_527 : vector<1x5000xf32> to vector<24x5000xf32>
    %eq3A_544 = vector.broadcast %broadcast_in_dim3A_542 : vector<24x1xf32> to vector<24x5000xf32>
    %eq3A_545 = arith.cmpf oeq, %eq3A_543, %eq3A_544 : vector<24x5000xf32>
    %jit3A_546 = arith.constant -3.000000e+38 : f32
    %broadcast_in_dim3A_547 = vector.broadcast %jit3A_546 : f32 to vector<24x5000xf32>
    %select_n3A_548 = arith.select %eq3A_545, %broadcast_in_dim3A_547, %select_n3A_526 : vector<24x5000xi1>, vector<24x5000xf32>
    %reduce_max3A_549 = arith.constant dense<0xFF800000> : vector<24xf32>
    %reduce_max3A_550 = vector.multi_reduction <maximumf>, %select_n3A_548, %reduce_max3A_549 [1] : vector<24x5000xf32> to vector<24xf32>
    %broadcast_in_dim3A_551 = vector.shape_cast %reduce_max3A_550 : vector<24xf32> to vector<24x1xf32>
    %add3A_552 = arith.addf %add3A_533, %broadcast_in_dim3A_551 : vector<24x1xf32>
    %ge3A_553 = vector.broadcast %broadcast_in_dim3A_551 : vector<24x1xf32> to vector<24x5000xf32>
    %ge3A_554 = arith.cmpf oge, %select_n3A_548, %ge3A_553 : vector<24x5000xf32>
    %jit3A_555 = arith.constant 5.000000e+03 : f32
    %broadcast_in_dim3A_556 = vector.shape_cast %convert_element_type3A_527 : vector<1x5000xf32> to vector<1x5000xf32>
    %broadcast_in_dim3A_557 = vector.broadcast %broadcast_in_dim3A_556 : vector<1x5000xf32> to vector<24x5000xf32>
    %broadcast_in_dim3A_558 = vector.broadcast %jit3A_555 : f32 to vector<24x5000xf32>
    %select_n3A_559 = arith.select %ge3A_554, %broadcast_in_dim3A_557, %broadcast_in_dim3A_558 : vector<24x5000xi1>, vector<24x5000xf32>
    %reduce_min3A_560 = arith.constant dense<0x7F800000> : vector<24xf32>
    %reduce_min3A_561 = vector.multi_reduction <minimumf>, %select_n3A_559, %reduce_min3A_560 [1] : vector<24x5000xf32> to vector<24xf32>
    %broadcast_in_dim3A_562 = vector.shape_cast %reduce_min3A_561 : vector<24xf32> to vector<24x1xf32>
    %eq3A_563 = vector.broadcast %convert_element_type3A_527 : vector<1x5000xf32> to vector<24x5000xf32>
    %eq3A_564 = vector.broadcast %broadcast_in_dim3A_562 : vector<24x1xf32> to vector<24x5000xf32>
    %eq3A_565 = arith.cmpf oeq, %eq3A_563, %eq3A_564 : vector<24x5000xf32>
    %jit3A_566 = arith.constant -3.000000e+38 : f32
    %broadcast_in_dim3A_567 = vector.broadcast %jit3A_566 : f32 to vector<24x5000xf32>
    %select_n3A_568 = arith.select %eq3A_565, %broadcast_in_dim3A_567, %select_n3A_548 : vector<24x5000xi1>, vector<24x5000xf32>
    %reduce_max3A_569 = arith.constant dense<0xFF800000> : vector<24xf32>
    %reduce_max3A_570 = vector.multi_reduction <maximumf>, %select_n3A_568, %reduce_max3A_569 [1] : vector<24x5000xf32> to vector<24xf32>
    %broadcast_in_dim3A_571 = vector.shape_cast %reduce_max3A_570 : vector<24xf32> to vector<24x1xf32>
    %add3A_572 = arith.addf %add3A_552, %broadcast_in_dim3A_571 : vector<24x1xf32>
    %ge3A_573 = vector.broadcast %broadcast_in_dim3A_571 : vector<24x1xf32> to vector<24x5000xf32>
    %ge3A_574 = arith.cmpf oge, %select_n3A_568, %ge3A_573 : vector<24x5000xf32>
    %jit3A_575 = arith.constant 5.000000e+03 : f32
    %broadcast_in_dim3A_576 = vector.shape_cast %convert_element_type3A_527 : vector<1x5000xf32> to vector<1x5000xf32>
    %broadcast_in_dim3A_577 = vector.broadcast %broadcast_in_dim3A_576 : vector<1x5000xf32> to vector<24x5000xf32>
    %broadcast_in_dim3A_578 = vector.broadcast %jit3A_575 : f32 to vector<24x5000xf32>
    %select_n3A_579 = arith.select %ge3A_574, %broadcast_in_dim3A_577, %broadcast_in_dim3A_578 : vector<24x5000xi1>, vector<24x5000xf32>
    %reduce_min3A_580 = arith.constant dense<0x7F800000> : vector<24xf32>
    %reduce_min3A_581 = vector.multi_reduction <minimumf>, %select_n3A_579, %reduce_min3A_580 [1] : vector<24x5000xf32> to vector<24xf32>
    %broadcast_in_dim3A_582 = vector.shape_cast %reduce_min3A_581 : vector<24xf32> to vector<24x1xf32>
    %eq3A_583 = vector.broadcast %convert_element_type3A_527 : vector<1x5000xf32> to vector<24x5000xf32>
    %eq3A_584 = vector.broadcast %broadcast_in_dim3A_582 : vector<24x1xf32> to vector<24x5000xf32>
    %eq3A_585 = arith.cmpf oeq, %eq3A_583, %eq3A_584 : vector<24x5000xf32>
    %jit3A_586 = arith.constant -3.000000e+38 : f32
    %broadcast_in_dim3A_587 = vector.broadcast %jit3A_586 : f32 to vector<24x5000xf32>
    %select_n3A_588 = arith.select %eq3A_585, %broadcast_in_dim3A_587, %select_n3A_568 : vector<24x5000xi1>, vector<24x5000xf32>
    %reduce_max3A_589 = arith.constant dense<0xFF800000> : vector<24xf32>
    %reduce_max3A_590 = vector.multi_reduction <maximumf>, %select_n3A_588, %reduce_max3A_589 [1] : vector<24x5000xf32> to vector<24xf32>
    %broadcast_in_dim3A_591 = vector.shape_cast %reduce_max3A_590 : vector<24xf32> to vector<24x1xf32>
    %add3A_592 = arith.addf %add3A_572, %broadcast_in_dim3A_591 : vector<24x1xf32>
    %convert_element_type3A_593 = arith.fptosi %add3A_592 : vector<24x1xf32> to vector<24x1xi32>
    %max3A_594 = arith.constant 1 : i32
    %max3A_595 = vector.broadcast %max3A_594 : i32 to vector<24x1xi32>
    %max3A_596 = arith.maxsi %convert_element_type3A_593, %max3A_595 : vector<24x1xi32>
    %jit3A_597 = arith.constant 0 : i32
    %broadcast_in_dim3A_598 = vector.broadcast %jit3A_597 : i32 to vector<24x1xi32>
    %select_n3A_599 = arith.select %gt3A_503, %max3A_596, %broadcast_in_dim3A_598 : vector<24x1xi1>, vector<24x1xi32>
    %reduce_min3A_600 = arith.constant dense<0x7F800000> : vector<24xf32>
    %reduce_min3A_601 = vector.multi_reduction <minimumf>, %select_n3A_507, %reduce_min3A_600 [1] : vector<24x5000xf32> to vector<24xf32>
    %broadcast_in_dim3A_602 = vector.shape_cast %reduce_min3A_601 : vector<24xf32> to vector<24x1xf32>
    %le3A = vector.broadcast %broadcast_in_dim3A_602 : vector<24x1xf32> to vector<24x5000xf32>
    %le3A_603 = arith.cmpf ole, %select_n3A_507, %le3A : vector<24x5000xf32>
    %jit3A_604 = arith.constant 5.000000e+03 : f32
    %broadcast_in_dim3A_605 = vector.shape_cast %convert_element_type3A_527 : vector<1x5000xf32> to vector<1x5000xf32>
    %broadcast_in_dim3A_606 = vector.broadcast %broadcast_in_dim3A_605 : vector<1x5000xf32> to vector<24x5000xf32>
    %broadcast_in_dim3A_607 = vector.broadcast %jit3A_604 : f32 to vector<24x5000xf32>
    %select_n3A_608 = arith.select %le3A_603, %broadcast_in_dim3A_606, %broadcast_in_dim3A_607 : vector<24x5000xi1>, vector<24x5000xf32>
    %reduce_min3A_609 = arith.constant dense<0x7F800000> : vector<24xf32>
    %reduce_min3A_610 = vector.multi_reduction <minimumf>, %select_n3A_608, %reduce_min3A_609 [1] : vector<24x5000xf32> to vector<24xf32>
    %broadcast_in_dim3A_611 = vector.shape_cast %reduce_min3A_610 : vector<24xf32> to vector<24x1xf32>
    %eq3A_612 = vector.broadcast %convert_element_type3A_527 : vector<1x5000xf32> to vector<24x5000xf32>
    %eq3A_613 = vector.broadcast %broadcast_in_dim3A_611 : vector<24x1xf32> to vector<24x5000xf32>
    %eq3A_614 = arith.cmpf oeq, %eq3A_612, %eq3A_613 : vector<24x5000xf32>
    %jit3A_615 = arith.constant 3.000000e+38 : f32
    %broadcast_in_dim3A_616 = vector.broadcast %jit3A_615 : f32 to vector<24x5000xf32>
    %select_n3A_617 = arith.select %eq3A_614, %broadcast_in_dim3A_616, %select_n3A_507 : vector<24x5000xi1>, vector<24x5000xf32>
    %reduce_min3A_618 = arith.constant dense<0x7F800000> : vector<24xf32>
    %reduce_min3A_619 = vector.multi_reduction <minimumf>, %select_n3A_617, %reduce_min3A_618 [1] : vector<24x5000xf32> to vector<24xf32>
    %broadcast_in_dim3A_620 = vector.shape_cast %reduce_min3A_619 : vector<24xf32> to vector<24x1xf32>
    %le3A_621 = vector.broadcast %broadcast_in_dim3A_620 : vector<24x1xf32> to vector<24x5000xf32>
    %le3A_622 = arith.cmpf ole, %select_n3A_617, %le3A_621 : vector<24x5000xf32>
    %jit3A_623 = arith.constant 5.000000e+03 : f32
    %broadcast_in_dim3A_624 = vector.shape_cast %convert_element_type3A_527 : vector<1x5000xf32> to vector<1x5000xf32>
    %broadcast_in_dim3A_625 = vector.broadcast %broadcast_in_dim3A_624 : vector<1x5000xf32> to vector<24x5000xf32>
    %broadcast_in_dim3A_626 = vector.broadcast %jit3A_623 : f32 to vector<24x5000xf32>
    %select_n3A_627 = arith.select %le3A_622, %broadcast_in_dim3A_625, %broadcast_in_dim3A_626 : vector<24x5000xi1>, vector<24x5000xf32>
    %reduce_min3A_628 = arith.constant dense<0x7F800000> : vector<24xf32>
    %reduce_min3A_629 = vector.multi_reduction <minimumf>, %select_n3A_627, %reduce_min3A_628 [1] : vector<24x5000xf32> to vector<24xf32>
    %broadcast_in_dim3A_630 = vector.shape_cast %reduce_min3A_629 : vector<24xf32> to vector<24x1xf32>
    %eq3A_631 = vector.broadcast %convert_element_type3A_527 : vector<1x5000xf32> to vector<24x5000xf32>
    %eq3A_632 = vector.broadcast %broadcast_in_dim3A_630 : vector<24x1xf32> to vector<24x5000xf32>
    %eq3A_633 = arith.cmpf oeq, %eq3A_631, %eq3A_632 : vector<24x5000xf32>
    %jit3A_634 = arith.constant 3.000000e+38 : f32
    %broadcast_in_dim3A_635 = vector.broadcast %jit3A_634 : f32 to vector<24x5000xf32>
    %select_n3A_636 = arith.select %eq3A_633, %broadcast_in_dim3A_635, %select_n3A_617 : vector<24x5000xi1>, vector<24x5000xf32>
    %reduce_min3A_637 = arith.constant dense<0x7F800000> : vector<24xf32>
    %reduce_min3A_638 = vector.multi_reduction <minimumf>, %select_n3A_636, %reduce_min3A_637 [1] : vector<24x5000xf32> to vector<24xf32>
    %broadcast_in_dim3A_639 = vector.shape_cast %reduce_min3A_638 : vector<24xf32> to vector<24x1xf32>
    %le3A_640 = vector.broadcast %broadcast_in_dim3A_639 : vector<24x1xf32> to vector<24x5000xf32>
    %le3A_641 = arith.cmpf ole, %select_n3A_636, %le3A_640 : vector<24x5000xf32>
    %jit3A_642 = arith.constant 5.000000e+03 : f32
    %broadcast_in_dim3A_643 = vector.shape_cast %convert_element_type3A_527 : vector<1x5000xf32> to vector<1x5000xf32>
    %broadcast_in_dim3A_644 = vector.broadcast %broadcast_in_dim3A_643 : vector<1x5000xf32> to vector<24x5000xf32>
    %broadcast_in_dim3A_645 = vector.broadcast %jit3A_642 : f32 to vector<24x5000xf32>
    %select_n3A_646 = arith.select %le3A_641, %broadcast_in_dim3A_644, %broadcast_in_dim3A_645 : vector<24x5000xi1>, vector<24x5000xf32>
    %reduce_min3A_647 = arith.constant dense<0x7F800000> : vector<24xf32>
    %reduce_min3A_648 = vector.multi_reduction <minimumf>, %select_n3A_646, %reduce_min3A_647 [1] : vector<24x5000xf32> to vector<24xf32>
    %broadcast_in_dim3A_649 = vector.shape_cast %reduce_min3A_648 : vector<24xf32> to vector<24x1xf32>
    %eq3A_650 = vector.broadcast %convert_element_type3A_527 : vector<1x5000xf32> to vector<24x5000xf32>
    %eq3A_651 = vector.broadcast %broadcast_in_dim3A_649 : vector<24x1xf32> to vector<24x5000xf32>
    %eq3A_652 = arith.cmpf oeq, %eq3A_650, %eq3A_651 : vector<24x5000xf32>
    %jit3A_653 = arith.constant 3.000000e+38 : f32
    %broadcast_in_dim3A_654 = vector.broadcast %jit3A_653 : f32 to vector<24x5000xf32>
    %select_n3A_655 = arith.select %eq3A_652, %broadcast_in_dim3A_654, %select_n3A_636 : vector<24x5000xi1>, vector<24x5000xf32>
    %reduce_min3A_656 = arith.constant dense<0x7F800000> : vector<24xf32>
    %reduce_min3A_657 = vector.multi_reduction <minimumf>, %select_n3A_655, %reduce_min3A_656 [1] : vector<24x5000xf32> to vector<24xf32>
    %broadcast_in_dim3A_658 = vector.shape_cast %reduce_min3A_657 : vector<24xf32> to vector<24x1xf32>
    %le3A_659 = vector.broadcast %broadcast_in_dim3A_658 : vector<24x1xf32> to vector<24x5000xf32>
    %le3A_660 = arith.cmpf ole, %select_n3A_655, %le3A_659 : vector<24x5000xf32>
    %jit3A_661 = arith.constant 5.000000e+03 : f32
    %broadcast_in_dim3A_662 = vector.shape_cast %convert_element_type3A_527 : vector<1x5000xf32> to vector<1x5000xf32>
    %broadcast_in_dim3A_663 = vector.broadcast %broadcast_in_dim3A_662 : vector<1x5000xf32> to vector<24x5000xf32>
    %broadcast_in_dim3A_664 = vector.broadcast %jit3A_661 : f32 to vector<24x5000xf32>
    %select_n3A_665 = arith.select %le3A_660, %broadcast_in_dim3A_663, %broadcast_in_dim3A_664 : vector<24x5000xi1>, vector<24x5000xf32>
    %reduce_min3A_666 = arith.constant dense<0x7F800000> : vector<24xf32>
    %reduce_min3A_667 = vector.multi_reduction <minimumf>, %select_n3A_665, %reduce_min3A_666 [1] : vector<24x5000xf32> to vector<24xf32>
    %broadcast_in_dim3A_668 = vector.shape_cast %reduce_min3A_667 : vector<24xf32> to vector<24x1xf32>
    %iota3A_669 = tpu.iota {dimensions = array<i32: 1>} : vector<1x32xi32>
    %broadcast_in_dim3A_670 = arith.constant 0.000000e+00 : f32
    %broadcast_in_dim3A_671 = vector.broadcast %broadcast_in_dim3A_670 : f32 to vector<24x32xf32>
    %eq3A_672 = arith.constant 0 : i32
    %eq3A_673 = vector.broadcast %eq3A_672 : i32 to vector<1x32xi32>
    %eq3A_674 = arith.cmpi eq, %iota3A_669, %eq3A_673 : vector<1x32xi32>
    %broadcast_in_dim3A_675 = vector.shape_cast %eq3A_674 : vector<1x32xi1> to vector<1x32xi1>
    %broadcast_in_dim3A_676 = vector.broadcast %broadcast_in_dim3A_675 : vector<1x32xi1> to vector<24x32xi1>
    %broadcast_in_dim3A_677 = vector.shape_cast %broadcast_in_dim3A_611 : vector<24x1xf32> to vector<24x1xf32>
    %broadcast_in_dim3A_678 = vector.broadcast %broadcast_in_dim3A_677 : vector<24x1xf32> to vector<24x32xf32>
    %select_n3A_679 = arith.select %broadcast_in_dim3A_676, %broadcast_in_dim3A_678, %broadcast_in_dim3A_671 : vector<24x32xi1>, vector<24x32xf32>
    %eq3A_680 = arith.constant 4 : i32
    %eq3A_681 = vector.broadcast %eq3A_680 : i32 to vector<1x32xi32>
    %eq3A_682 = arith.cmpi eq, %iota3A_669, %eq3A_681 : vector<1x32xi32>
    %broadcast_in_dim3A_683 = vector.shape_cast %eq3A_682 : vector<1x32xi1> to vector<1x32xi1>
    %broadcast_in_dim3A_684 = vector.broadcast %broadcast_in_dim3A_683 : vector<1x32xi1> to vector<24x32xi1>
    %broadcast_in_dim3A_685 = vector.shape_cast %broadcast_in_dim3A_602 : vector<24x1xf32> to vector<24x1xf32>
    %broadcast_in_dim3A_686 = vector.broadcast %broadcast_in_dim3A_685 : vector<24x1xf32> to vector<24x32xf32>
    %select_n3A_687 = arith.select %broadcast_in_dim3A_684, %broadcast_in_dim3A_686, %select_n3A_679 : vector<24x32xi1>, vector<24x32xf32>
    %eq3A_688 = arith.constant 1 : i32
    %eq3A_689 = vector.broadcast %eq3A_688 : i32 to vector<1x32xi32>
    %eq3A_690 = arith.cmpi eq, %iota3A_669, %eq3A_689 : vector<1x32xi32>
    %broadcast_in_dim3A_691 = vector.shape_cast %eq3A_690 : vector<1x32xi1> to vector<1x32xi1>
    %broadcast_in_dim3A_692 = vector.broadcast %broadcast_in_dim3A_691 : vector<1x32xi1> to vector<24x32xi1>
    %broadcast_in_dim3A_693 = vector.shape_cast %broadcast_in_dim3A_630 : vector<24x1xf32> to vector<24x1xf32>
    %broadcast_in_dim3A_694 = vector.broadcast %broadcast_in_dim3A_693 : vector<24x1xf32> to vector<24x32xf32>
    %select_n3A_695 = arith.select %broadcast_in_dim3A_692, %broadcast_in_dim3A_694, %select_n3A_687 : vector<24x32xi1>, vector<24x32xf32>
    %eq3A_696 = arith.constant 5 : i32
    %eq3A_697 = vector.broadcast %eq3A_696 : i32 to vector<1x32xi32>
    %eq3A_698 = arith.cmpi eq, %iota3A_669, %eq3A_697 : vector<1x32xi32>
    %broadcast_in_dim3A_699 = vector.shape_cast %eq3A_698 : vector<1x32xi1> to vector<1x32xi1>
    %broadcast_in_dim3A_700 = vector.broadcast %broadcast_in_dim3A_699 : vector<1x32xi1> to vector<24x32xi1>
    %broadcast_in_dim3A_701 = vector.shape_cast %broadcast_in_dim3A_620 : vector<24x1xf32> to vector<24x1xf32>
    %broadcast_in_dim3A_702 = vector.broadcast %broadcast_in_dim3A_701 : vector<24x1xf32> to vector<24x32xf32>
    %select_n3A_703 = arith.select %broadcast_in_dim3A_700, %broadcast_in_dim3A_702, %select_n3A_695 : vector<24x32xi1>, vector<24x32xf32>
    %eq3A_704 = arith.constant 2 : i32
    %eq3A_705 = vector.broadcast %eq3A_704 : i32 to vector<1x32xi32>
    %eq3A_706 = arith.cmpi eq, %iota3A_669, %eq3A_705 : vector<1x32xi32>
    %broadcast_in_dim3A_707 = vector.shape_cast %eq3A_706 : vector<1x32xi1> to vector<1x32xi1>
    %broadcast_in_dim3A_708 = vector.broadcast %broadcast_in_dim3A_707 : vector<1x32xi1> to vector<24x32xi1>
    %broadcast_in_dim3A_709 = vector.shape_cast %broadcast_in_dim3A_649 : vector<24x1xf32> to vector<24x1xf32>
    %broadcast_in_dim3A_710 = vector.broadcast %broadcast_in_dim3A_709 : vector<24x1xf32> to vector<24x32xf32>
    %select_n3A_711 = arith.select %broadcast_in_dim3A_708, %broadcast_in_dim3A_710, %select_n3A_703 : vector<24x32xi1>, vector<24x32xf32>
    %eq3A_712 = arith.constant 6 : i32
    %eq3A_713 = vector.broadcast %eq3A_712 : i32 to vector<1x32xi32>
    %eq3A_714 = arith.cmpi eq, %iota3A_669, %eq3A_713 : vector<1x32xi32>
    %broadcast_in_dim3A_715 = vector.shape_cast %eq3A_714 : vector<1x32xi1> to vector<1x32xi1>
    %broadcast_in_dim3A_716 = vector.broadcast %broadcast_in_dim3A_715 : vector<1x32xi1> to vector<24x32xi1>
    %broadcast_in_dim3A_717 = vector.shape_cast %broadcast_in_dim3A_639 : vector<24x1xf32> to vector<24x1xf32>
    %broadcast_in_dim3A_718 = vector.broadcast %broadcast_in_dim3A_717 : vector<24x1xf32> to vector<24x32xf32>
    %select_n3A_719 = arith.select %broadcast_in_dim3A_716, %broadcast_in_dim3A_718, %select_n3A_711 : vector<24x32xi1>, vector<24x32xf32>
    %eq3A_720 = arith.constant 3 : i32
    %eq3A_721 = vector.broadcast %eq3A_720 : i32 to vector<1x32xi32>
    %eq3A_722 = arith.cmpi eq, %iota3A_669, %eq3A_721 : vector<1x32xi32>
    %broadcast_in_dim3A_723 = vector.shape_cast %eq3A_722 : vector<1x32xi1> to vector<1x32xi1>
    %broadcast_in_dim3A_724 = vector.broadcast %broadcast_in_dim3A_723 : vector<1x32xi1> to vector<24x32xi1>
    %broadcast_in_dim3A_725 = vector.shape_cast %broadcast_in_dim3A_668 : vector<24x1xf32> to vector<24x1xf32>
    %broadcast_in_dim3A_726 = vector.broadcast %broadcast_in_dim3A_725 : vector<24x1xf32> to vector<24x32xf32>
    %select_n3A_727 = arith.select %broadcast_in_dim3A_724, %broadcast_in_dim3A_726, %select_n3A_719 : vector<24x32xi1>, vector<24x32xf32>
    %eq3A_728 = arith.constant 7 : i32
    %eq3A_729 = vector.broadcast %eq3A_728 : i32 to vector<1x32xi32>
    %eq3A_730 = arith.cmpi eq, %iota3A_669, %eq3A_729 : vector<1x32xi32>
    %broadcast_in_dim3A_731 = vector.shape_cast %eq3A_730 : vector<1x32xi1> to vector<1x32xi1>
    %broadcast_in_dim3A_732 = vector.broadcast %broadcast_in_dim3A_731 : vector<1x32xi1> to vector<24x32xi1>
    %broadcast_in_dim3A_733 = vector.shape_cast %broadcast_in_dim3A_658 : vector<24x1xf32> to vector<24x1xf32>
    %broadcast_in_dim3A_734 = vector.broadcast %broadcast_in_dim3A_733 : vector<24x1xf32> to vector<24x32xf32>
    %select_n3A_735 = arith.select %broadcast_in_dim3A_732, %broadcast_in_dim3A_734, %select_n3A_727 : vector<24x32xi1>, vector<24x32xf32>
    %eq3A_736 = arith.constant 24 : i32
    %eq3A_737 = vector.broadcast %eq3A_736 : i32 to vector<1x32xi32>
    %eq3A_738 = arith.cmpi eq, %iota3A_669, %eq3A_737 : vector<1x32xi32>
    %convert_element_type3A_739 = arith.sitofp %select_n3A_599 : vector<24x1xi32> to vector<24x1xf32>
    %broadcast_in_dim3A_740 = vector.shape_cast %eq3A_738 : vector<1x32xi1> to vector<1x32xi1>
    %broadcast_in_dim3A_741 = vector.broadcast %broadcast_in_dim3A_740 : vector<1x32xi1> to vector<24x32xi1>
    %broadcast_in_dim3A_742 = vector.shape_cast %convert_element_type3A_739 : vector<24x1xf32> to vector<24x1xf32>
    %broadcast_in_dim3A_743 = vector.broadcast %broadcast_in_dim3A_742 : vector<24x1xf32> to vector<24x32xf32>
    %select_n3A_744 = arith.select %broadcast_in_dim3A_741, %broadcast_in_dim3A_743, %select_n3A_735 : vector<24x32xi1>, vector<24x32xf32>
    %swap3A = arith.constant 0 : index
    %swap3A_745 = arith.constant 0 : index
    %swap3A_746 = arith.constant 0 : index
    %swap3A_747 = vector.load %arg6[%swap3A, %swap3A_745, %swap3A_746] : memref<1x24x32xf32, #tpu.memory_space<vmem>>, vector<1x24x32xf32>
    %swap3A_748 = vector.shape_cast %swap3A_747 : vector<1x24x32xf32> to vector<24x32xf32>
    %swap3A_749 = vector.shape_cast %select_n3A_744 : vector<24x32xf32> to vector<1x24x32xf32>
    tpu.vector_store %arg6[%swap3A, %swap3A_745, %swap3A_746], %swap3A_749 {strides = array<i32>} : memref<1x24x32xf32, #tpu.memory_space<vmem>>, vector<1x24x32xf32>,
    return
  }
  func.func @transform_0(%arg0: i32) -> i32 {
    %c0_i32 = arith.constant 0 : i32
    %c0_i32_0 = arith.constant 0 : i32
    return %c0_i32 : i32
  }
  func.func @transform_1(%arg0: i32) -> (i32, i32, i32) {
    %c0_i32 = arith.constant 0 : i32
    %c0_i32_0 = arith.constant 0 : i32
    %c0_i32_1 = arith.constant 0 : i32
    return %arg0, %c0_i32, %c0_i32_0 : i32, i32, i32
  }
  func.func @transform_2(%arg0: i32) -> (i32, i32, i32) {
    %c0_i32 = arith.constant 0 : i32
    %c0_i32_0 = arith.constant 0 : i32
    %c0_i32_1 = arith.constant 0 : i32
    return %arg0, %c0_i32, %c0_i32_0 : i32, i32, i32
  }
  func.func @transform_3(%arg0: i32) -> (i32, i32, i32) {
    %c0_i32 = arith.constant 0 : i32
    %c0_i32_0 = arith.constant 0 : i32
    %c0_i32_1 = arith.constant 0 : i32
    return %arg0, %c0_i32, %c0_i32_0 : i32, i32, i32
  }
  func.func @transform_4(%arg0: i32) -> (i32, i32, i32) {
    %c0_i32 = arith.constant 0 : i32
    %c0_i32_0 = arith.constant 0 : i32
    %c0_i32_1 = arith.constant 0 : i32
    return %arg0, %c0_i32, %c0_i32_0 : i32, i32, i32
  }
  func.func @transform_5(%arg0: i32) -> (i32, i32, i32) {
    %c0_i32 = arith.constant 0 : i32
    %c0_i32_0 = arith.constant 0 : i32
    %c0_i32_1 = arith.constant 0 : i32
    return %arg0, %c0_i32, %c0_i32_0 : i32, i32, i32
  }
}

</mosaic_0001>

<sc_bundles>
// kernel: kernel.4.cloned.1.call-start
scs
__scs_entry_jumppad:
0x0: {  	(pc) =	sbr.rel $0x88, $3  }
0x1: {  	(tag) =	ssettag $0x0;
	lr =	simm.s32 $0x1  }
0x2: {  	[smem:$0x3F9C] =	sst lr;
	_ =	strace $0xD0000000  }
0x3: {  	_ = 	snop  }
0x4: {  	_ = 	snop  }
0x5: {  	_ = 	snop  }
0x6: {  	_ = 	snop  }
0x7: {  	_ = 	snop  }
__scs_overlays_trampoline_lowered:
0x8: {  	[smem:$0x3FAB] =	sst s0  }
0x9: {  	[smem:$0x3FAC] =	sst s1  }
0xa: {  	[smem:$0x3FAD] =	sst s2  }
0xb: {  	[smem:$0x3FAE] =	sst s3  }
0xc: {  	[smem:$0x3FAF] =	sst s4  }
0xd: {  	[smem:$0x3FB0] =	sst s5  }
0xe: {  	[smem:$0x3FB1] =	sst s6  }
0xf: {  	[smem:$0x3FB2] =	sst s7  }
0x10: {  	[smem:$0x3FB3] =	sst s8  }
0x11: {  	[smem:$0x3FB4] =	sst s9;
	s0 =	simm.s32 @!p0 $0x0  }
0x12: {  	s1 =	sld [smem:$0x3F9A];
	s0 =	simm.s32 @p0 $0x1  }
0x13: {  	[smem:$0x3FB5] =	sst s0;
	s0 =	simm.s32 @!p1 $0x0  }
0x14: {  	s2 =	sld [smem:$0x3F99];
	s0 =	simm.s32 @p1 $0x1  }
0x15: {  	[smem:$0x3FB6] =	sst s0;
	s0 =	simm.s32 @!p2 $0x0  }
0x16: {  	s3 =	sld [smem:$0x3FDB];
	s0 =	simm.s32 @p2 $0x1  }
0x17: {  	s4 =	simm.s32 $0x1BF5;
	[smem:$0x3FB8] =	sst s0  }
0x18: {  	s0 =	sld [smem:$0x3F9B];
	_ =	swait.ge [sflag:s4], $0x0  }
0x19: {  	s7 =	sld [smem:$0x3F9C]  }
0x1a: {  	s8 =	sadd.s32 $0xFFFFE003, lr  }
0x1b: {  	s9 =	sadd.s32 $0xFFFFFEF7, lr;
	s5 =	simm.s32 $0xFFFFFFFF;
	p2 =	slt.u32 s8, $0xFFFFF086  }
0x1c: {  	p1 =	slt.u32 s9, $0xF7A;
	s5 =	simm.s32 @!p2 $0x0  }
0x1d: {  	s5 =	simm.s32 @p1 $0x1;
	p0 =	seq.s32 s7, s2  }
0x1e: {  	s7 =	smul.u32 @!p0 $0xF7A, s2;
	p2 =	seq.s32 @!p0 s5, $0x0  }
0x1f: {  	s9 =	smul.u32 $0xF7A, s1;
	s8 =	simm.s32 @!p0 $0x1BF5;
	p2 =	por !p2, p0  }
0x20: {  	[sflag:s8] =	ssyncset.s32 @!p0 $0xFFFFF086;
	s6 =	sadd.s32 @!p0 s3, s7;
	s7 =	simm.s32 @!p0 $0x108  }
0x21: {  	s3 =	sadd.s32 s3, s9;
	s6 =	sadd.s32 @!p0 $0x88, s6;
	s7 =	simm.s32 @p2 $0x1082  }
0x22: {  	[simem:s7], [sflag:s8] =	dma.local @!p0 [hbm:s6], $0xF7A  }
0x23: {  	s9 =	sor.u32 $0xD0000000, s2;
	s6 =	simm.s32 $0x108;
	_ =	swait.ge @!p0 [sflag:s8], $0x0  }
0x24: {  	s3 =	sadd.s32 $0x88, s3;
	s6 =	simm.s32 @!p1 $0x1082;
	[sflag:s4] =	ssyncset.s32 $0xFFFFF086  }
0x25: {  	[simem:s6], [sflag:s4] =	dma.local [hbm:s3], $0xF7A  }
0x26: {  	[smem:$0x3F9C] =	sst s1;
	(tag) =	ssettag s2;
	_ =	strace s9  }
0x27: {  	s1 =	sld [smem:$0x3FAC]  }
0x28: {  	s2 =	sld [smem:$0x3FAD]  }
0x29: {  	s4 =	sld [smem:$0x3FAF]  }
0x2a: {  	p0 =	seq.s32 s5, $0x0;
	s5 =	sld [smem:$0x3FB0]  }
0x2b: {  	s6 =	sld [smem:$0x3FB1]  }
0x2c: {  	s7 =	sld [smem:$0x3FB2]  }
0x2d: {  	s3 =	simm.s32 $0x108;
	s8 =	sld [smem:$0x3FB3]  }
0x2e: {  	s3 =	simm.s32 @!p0 $0x1082;
	s9 =	sld [smem:$0x3FB4]  }
0x2f: {  	lr =	sadd.s32 s0, s3;
	s0 =	sld [smem:$0x3FAB]  }
0x30: {  	s3 =	sld [smem:$0x3FAE]  }
0x31: {  	[smem:$0x3FB7] =	sst s10  }
0x32: {  	s10 =	sld [smem:$0x3FB5];
	_ =	sdelay $0x3  }
0x33: {  	p0 =	seq.s32 s10, $0x1;
	s10 =	sld [smem:$0x3FB7];
	_ =	sdelay $0x3  }
0x34: {  	[smem:$0x3FB7] =	sst s10  }
0x35: {  	s10 =	sld [smem:$0x3FB6];
	_ =	sdelay $0x3  }
0x36: {  	p1 =	seq.s32 s10, $0x1;
	s10 =	sld [smem:$0x3FB7];
	_ =	sdelay $0x3  }
0x37: {  	[smem:$0x3FB7] =	sst s10  }
0x38: {  	s10 =	sld [smem:$0x3FB8]  }
0x39: {  	_ = 	snop;
	(pc) =	sbr.ind lr, $3  }
0x3a: {  	_ = 	snop  }
0x3b: {  	_ = 	snop  }
0x3c: {  	p2 =	seq.s32 s10, $0x1;
	s10 =	sld [smem:$0x3FB7]  }
0x3d: {  	_ =	shalt  }
0x3e: {  	_ =	shalt  }
0x3f: {  	_ =	shalt  }
0x40: {  	_ =	shalt  }
0x41: {  	_ =	shalt  }
0x42: {  	_ =	shalt  }
0x43: {  	_ =	shalt  }
0x44: {  	_ =	shalt  }
0x45: {  	_ =	shalt  }
0x46: {  	_ =	shalt  }
0x47: {  	_ =	shalt  }
0x48: {  	_ =	shalt  }
0x49: {  	_ =	shalt  }
0x4a: {  	_ =	shalt  }
0x4b: {  	_ =	shalt  }
0x4c: {  	_ =	shalt  }
0x4d: {  	_ =	shalt  }
0x4e: {  	_ =	shalt  }
0x4f: {  	_ =	shalt  }
0x50: {  	_ =	shalt  }
0x51: {  	_ =	shalt  }
0x52: {  	_ =	shalt  }
0x53: {  	_ =	shalt  }
0x54: {  	_ =	shalt  }
0x55: {  	_ =	shalt  }
0x56: {  	_ =	shalt  }
0x57: {  	_ =	shalt  }
0x58: {  	_ =	shalt  }
0x59: {  	_ =	shalt  }
0x5a: {  	_ =	shalt  }
0x5b: {  	_ =	shalt  }
0x5c: {  	_ =	shalt  }
0x5d: {  	_ =	shalt  }
0x5e: {  	_ =	shalt  }
0x5f: {  	_ =	shalt  }
0x60: {  	_ =	shalt  }
0x61: {  	_ =	shalt  }
0x62: {  	_ =	shalt  }
0x63: {  	_ =	shalt  }
0x64: {  	_ =	shalt  }
0x65: {  	_ =	shalt  }
0x66: {  	_ =	shalt  }
0x67: {  	_ =	shalt  }
0x68: {  	_ =	shalt  }
0x69: {  	_ =	shalt  }
0x6a: {  	_ =	shalt  }
0x6b: {  	_ =	shalt  }
0x6c: {  	_ =	shalt  }
0x6d: {  	_ =	shalt  }
0x6e: {  	_ =	shalt  }
0x6f: {  	_ =	shalt  }
0x70: {  	_ =	shalt  }
0x71: {  	_ =	shalt  }
0x72: {  	_ =	shalt  }
0x73: {  	_ =	shalt  }
0x74: {  	_ =	shalt  }
0x75: {  	_ =	shalt  }
0x76: {  	_ =	shalt  }
0x77: {  	_ =	shalt  }
0x78: {  	_ =	shalt  }
0x79: {  	_ =	shalt  }
0x7a: {  	_ =	shalt  }
0x7b: {  	_ =	shalt  }
0x7c: {  	_ =	shalt  }
0x7d: {  	_ =	shalt  }
0x7e: {  	_ =	shalt  }
0x7f: {  	_ =	shalt  }
0x80: {  	_ =	shalt  }
0x81: {  	_ =	shalt  }
0x82: {  	_ =	shalt  }
0x83: {  	_ =	shalt  }
0x84: {  	_ =	shalt  }
0x85: {  	_ =	shalt  }
0x86: {  	_ =	shalt  }
0x87: {  	_ =	shalt  }
.Lfunc_end0:
.L_simem_size_0:
called_computation_lowered:
.L_overlay_start_0:
0x88: {  	s2 =	sld [smem:$0x3FD9]  }
0x89: {  	s3 =	sld [smem:$0x3FFE];
	_ =	sdelay $0x1  }
0x8a: {  	s1 =	srdreg.scid  }
0x8b: {  	s0 =	sand.u32 $0x1, s1  }
0x8c: {  	s14 =	sshll.u32 s0, $0xA;
	s2 =	sadd.s32 s3, s2  }
0x8d: {  	s2 =	sadd.s32 s2, s14  }
0x8e: {  	[smem:$0x3FC3] =	sst s2  }
0x8f: {  	_ = 	snop  }
0x90: {  	s2 =	sld [smem:$0x3FD0];
	_ =	sdelay $0x2  }
0x91: {  	s15 =	simm.s32 $0xA;
	s4 =	simm.s32 $0x10  }
0x92: {  	[smem:s4], [sflag:s15] =	dma.local [hbm:s2], $0x1  }
0x93: {  	_ =	swait.eq [sflag:s15], $0x1  }
0x94: {  	[sflag:s15] =	ssyncset.done $0x0  }
0x95: {  	s16 =	sld [smem:$0x10];
	[sflag:s15] =	ssyncadd.s32 $0xFFFFFFFF  }
0x96: {  	s17 =	sld [smem:$0x11];
	(tm) =	ssettm $0x1  }
0x97: {  	s18 =	sld [smem:$0x3FFB];
	_ =	sdelay $0x3  }
0x98: {  	_ =	strace s18  }
0x99: {  	s4 =	sld [smem:$0x3FFC];
	_ =	sdelay $0x3  }
0x9a: {  	_ =	strace s4  }
0x9b: {  	s4 =	sld [smem:$0x3FFD];
	_ =	sdelay $0x3  }
0x9c: {  	_ =	strace s4  }
0x9d: {  	_ =	strace $0x8FFFFFFF  }
0x9e: {  	s19 =	sld [smem:$0x3FDB];
	_ =	sdelay $0x1  }
0x9f: {  	s5 =	simm.s32 $_scs_section_size  }
0xa0: {  	s6 =	simm.s32 $_size__tile_overlayer_lowered;
	s7 =	simm.s32 $_tile_overlayer_lowered  }
0xa1: {  	s22 =	simm.s32 $0x1BFF;
	s21 =	sshll.u32 s7, $0x1;
	s4 =	sadd.s32 s5, s19  }
0xa2: {  	s8 =	simm.s32 $0x0;
	s20 =	sshll.u32 s6, $0x1;
	s6 =	sadd.s32 s21, s4  }
0xa3: {  	[timem:s8], [sflag:s22] =	dma.local [hbm:s6], s20  }
0xa4: {  	_ =	swait.ge [sflag:s22], s20  }
0xa5: {  	s5 =	ssub.s32 $0x0, s20;
	[sflag:s22] =	ssyncset.done $0x0  }
0xa6: {  	[sflag:s22] =	ssyncadd.s32 s5;
	_ =	sdelay $0x1  }
0xa7: {  	s23 =	simm.s32 $0x1B8B  }
0xa8: {  	_ =	swait.ge [sflag:s23], $0x1  }
0xa9: {  	[sflag:s23] =	ssyncset.done $0x0  }
0xaa: {  	s25 =	simm.s32 $0x1B8E;
	s24 =	sld [smem:$0x3FFE];
	[sflag:s23] =	ssyncadd.s32 $0xFFFFFFFF  }
0xab: {  	s26 =	simm.s32 $execute0_lowered;
	[smem:$0x3FD2] =	sst s25  }
0xac: {  	s6 =	sshll.u32 s26, $0x1;
	_ =	strace $0x80000046;
	[dreg:$0x1] =	wrdreg $0xFFFFFFFF  }
0xad: {  	s28 =	simm.s32 $_size_execute0_lowered;
	s4 =	sadd.s32 s4, s6;
	[dreg:$0x0] =	wrdreg $0x0  }
0xae: {  	s6 =	sshll.u32 s28, $0x1;
	[dreg:$0x2] =	wrdreg s4  }
0xaf: {  	[dreg:$0x3] =	wrdreg s6  }
0xb0: {  	[dreg:$0x4] =	wrdreg $0xC0  }
0xb1: {  	_ =	task [dreg:s8], $0x5FFFF  }
0xb2: {  	[dreg:$0x1] =	wrdreg $0xFFFFFFFF  }
0xb3: {  	[dreg:$0x0] =	wrdreg $0x60  }
0xb4: {  	[dreg:$0x2] =	wrdreg s17  }
0xb5: {  	[dreg:$0x3] =	wrdreg s16  }
0xb6: {  	[dreg:$0x4] =	wrdreg s24  }
0xb7: {  	[dreg:$0x5] =	wrdreg $0x9  }
0xb8: {  	_ =	task.clear_ibuf [dreg:s8], $0x6FFFF;
	_ =	strace $0x90000046  }
0xb9: {  	s29 =	simm.s32 $0x9;
	_ =	strace $0x80000048  }
0xba: {  	_ =	swait.ge [sflag:s29], $0x1  }
0xbb: {  	[sflag:s29] =	ssyncadd.s32 $0xFFFFFFFF  }
0xbc: {  	_ =	strace $0x90000048  }
0xbd: {  	_ =	sfence  }
0xbe: {  	s30 =	sld [smem:$0x0];
	_ =	sdelay $0x2  }
0xbf: {  	s31 =	sshll.u32 s1, $0xD;
	s1 =	sshrl.u32 s1, $0x2  }
0xc0: {  	s3 =	sand.u32 $0x4000, s31;
	s1 =	sadd.s32 s1, s30  }
0xc1: {  	s0 =	sor.u32 s3, s0;
	s1 =	sshll.u32 s1, $0x11  }
0xc2: {  	s0 =	sor.u32 s1, s0  }
0xc3: {  	s0 =	sadd.s32 $0x8F2B, s0  }
0xc4: {  	[sflag:s0] =	ssyncadd.remote.s32 $0x1  }
0xc5: {  	_ =	sfence.sel $0xFFFF  }
0xc6: {  	[dreg:$0x0] =	wrdreg $0xFFFFFFFF;
	(pc) =	sbr.abs _section_cstart, $3  }
0xc7: {  	[dreg:$0x1] =	wrdreg $0xFFFFFFFF  }
0xc8: {  	_ =	task.clear_ibuf [dreg:s8], $0x2FFFF;
	_ =	strace $0x9FFFFFFF  }
0xc9: {  	(tm) =	ssettm $0x7FFFFFFF  }
tec
execute0_lowered:
.L_overlay_start_1:
0x0: {  	(tag) =	ssettag $0x1  }
0x1: {  	s5 =	stileid.u32  }
0x2: {  	p0 =	sne.s32 s5, $0x0  }
.Ltmp0:
0x3: {  	s4 =	rddreg [dreg:$0x0];
	(pc) =	sbr.rel @p0 .LBB2_3-.Ltmp0, $4  }
0x4: {  	s1 =	rddreg [dreg:$0x1]  }
0x5: {  	s3 =	rddreg [dreg:$0x2];
	s2 =	simm.s32 $0x0  }
0x6: {  	[smem:$0x7FF] =	sst s2  }
0x7: {  	s0 =	rddreg [dreg:$0x3];
	_ =	strace $0x80000047  }
0x8: {  	v0 =	vimm.f32 $1.500000000e+01  }
0x9: {  	vm0 =	vcmask $0x300;
	v1 =	vlaneseq.u32;
	v47 =	vimm.s32 $0x598  }
0xa: {  	v48 =	vimm.s32 $0xB;
	v51 =	vimm.s32 $0x618;
	v52 =	vimm.s32 $0xC  }
0xb: {  	v55 =	vimm.s32 $0x698;
	v56 =	vimm.s32 $0xD;
	v59 =	vimm.s32 $0x718  }
0xc: {  	v60 =	vimm.s32 $0xE;
	v63 =	vimm.s32 $0x798;
	v4 =	vimm.s32 $0x818  }
0xd: {  	v7 =	vimm.s32 $0x10;
	v8 =	vimm.s32 $0x898;
	v11 =	vimm.s32 $0x11  }
0xe: {  	v12 =	vimm.s32 $0x918;
	v0 =	vsel vm0, $0x0, v0;
	vm0 =	vcmask $0x704  }
0xf: {  	v15 =	vimm.s32 $0x12;
	v0 =	vsel vm0, $0x3F800000, v0;
	vm0 =	vcmask $0xB08  }
0x10: {  	v16 =	vimm.s32 $0x998;
	v0 =	vsel vm0, $0x40000000, v0;
	vm0 =	vcmask $0xF0C  }
0x11: {  	v19 =	vimm.s32 $0x13;
	v0 =	vsel vm0, $0x40400000, v0;
	vm0 =	vcmask $0x1310  }
0x12: {  	v20 =	vimm.s32 $0xA18;
	v0 =	vsel vm0, $0x40800000, v0;
	vm0 =	vcmask $0x1714  }
0x13: {  	v23 =	vimm.s32 $0x14;
	v0 =	vsel vm0, $0x40A00000, v0;
	vm0 =	vcmask $0x1B18  }
0x14: {  	v24 =	vimm.s32 $0xA98;
	v0 =	vsel vm0, $0x40C00000, v0;
	vm0 =	vcmask $0x1F1C  }
0x15: {  	v27 =	vimm.s32 $0x15;
	v0 =	vsel vm0, $0x40E00000, v0;
	vm0 =	vcmask $0x2320  }
0x16: {  	v28 =	vimm.s32 $0xB18;
	v0 =	vsel vm0, $0x41000000, v0;
	vm0 =	vcmask $0x2724  }
0x17: {  	v31 =	vimm.s32 $0x16;
	v0 =	vsel vm0, $0x41100000, v0;
	vm0 =	vcmask $0x2B28  }
0x18: {  	v32 =	vimm.s32 $0xB98;
	v0 =	vsel vm0, $0x41200000, v0;
	vm0 =	vcmask $0x2F2C  }
0x19: {  	v35 =	vimm.s32 $0x17;
	v0 =	vsel vm0, $0x41300000, v0;
	vm0 =	vcmask $0x3330  }
0x1a: {  	v2 =	vsel vm0, $0x41400000, v0;
	vm0 =	vcmask $0x3734;
	v0 =	vand.u32 $0x3, v1  }
0x1b: {  	v2 =	vsel vm0, $0x41500000, v2;
	vm0 =	vcmask $0x3B38;
	v1 =	vor.u32 $0x4, v0  }
0x1c: {  	v5 =	vor.u32 $0x80, v0;
	v6 =	vor.u32 $0x84, v0;
	v9 =	vor.u32 $0x100, v0  }
0x1d: {  	v10 =	vor.u32 $0x104, v0;
	v13 =	vor.u32 $0x180, v0;
	v14 =	vor.u32 $0x184, v0  }
0x1e: {  	v17 =	vor.u32 $0x200, v0;
	v18 =	vor.u32 $0x204, v0;
	v21 =	vor.u32 $0x280, v0  }
0x1f: {  	v22 =	vor.u32 $0x284, v0;
	v25 =	vor.u32 $0x300, v0;
	v26 =	vor.u32 $0x304, v0  }
0x20: {  	v29 =	vor.u32 $0x380, v0;
	v30 =	vor.u32 $0x384, v0;
	v33 =	vor.u32 $0x400, v0  }
0x21: {  	s5 =	srdreg.scid;
	v34 =	vor.u32 $0x404, v0;
	v37 =	vor.u32 $0x480, v0;
	v38 =	vor.u32 $0x484, v0  }
0x22: {  	s8 =	simm.s32 $0xC00;
	s9 =	simm.s32 $0x80;
	s5 =	sand.u32 $0x1, s5;
	v41 =	vor.u32 $0x500, v0;
	v42 =	vor.u32 $0x504, v0;
	v45 =	vor.u32 $0x580, v0  }
0x23: {  	s6 =	sshll.u32 s5, $0x4;
	s7 =	ssub.s32 $0x2, s5;
	s5 =	smul.u32 $0x180, s5;
	v46 =	vor.u32 $0x584, v0;
	v49 =	vor.u32 $0x600, v0;
	v50 =	vor.u32 $0x604, v0  }
0x24: {  	s10 =	simm.s32 $0x100;
	s3 =	sadd.s32 s6, s3;
	s31 =	sshrl.u32 s7, $0x1;
	v53 =	vor.u32 $0x680, v0;
	v54 =	vor.u32 $0x684, v0;
	v57 =	vor.u32 $0x700, v0  }
0x25: {  	s3 =	sadd.s32 $0xA00, s3;
	s6 =	ssub.s32 s7, s31;
	s4 =	sadd.s32 s4, s5;
	v58 =	vor.u32 $0x704, v0;
	v61 =	vor.u32 $0x780, v0;
	v62 =	vor.u32 $0x784, v0  }
0x26: {  	s7 =	simm.s32 $0x2000;
	s5 =	smax.u32 s6, $0x1;
	s6 =	simm.s32 $0x1;
	v3 =	vsel vm0, $0x41600000, v2;
	vm0 =	vmmov $0xf;
	v2 =	vimm.s32 $0xF  }
.LBB2_2:
0x27: {  	[tilespmem:s2], [sflag:$0x1] =	stream.linear.gather [hbm4b:s4+s2], $0xC00, $0x38;
	[tilespmem:$0x3400] =	vst v63  }
0x28: {  	_ =	swait.ge [sflag:s6], $0xC00  }
0x29: {  	[sflag:s6] =	ssyncset.done $0x0  }
0x2a: {  	[sflag:s6] =	ssyncadd.s32 $0xFFFFF400  }
0x2b: {  	[tilespmem:s7], [sflag:$0x1] =	stream.linear.gather [hbm4b:s1+s2], $0x1400, $0x38;
	[tilespmem:$0x3400] =	vst v63  }
0x2c: {  	_ =	swait.ge [sflag:s6], $0x1400  }
0x2d: {  	[sflag:s6] =	ssyncset.done $0x0  }
0x2e: {  	[sflag:s6] =	ssyncadd.s32 $0xFFFFEC00  }
0x2f: {  	v36 =	vld.idx.msk [tilespmem:v0+s2+$0x0], $0xffff;
	_ =	sdelay $0x4  }
0x30: {  	v36 =	vtrunc.f32 v36  }
0x31: {  	v36 =	vcvt.f32.s32 v36;
	_ =	sdelay $0x2  }
0x32: {  	v44 =	vimm.s32 $0x18;
	_ =	sdelay $0x1  }
0x33: {  	v39 =	vld.idx.msk [tilespmem:v1+s2+$0x0], $0xffff  }
0x34: {  	v40 =	vld.idx.msk [tilespmem:v36+s8+$0x0], $0xffff  }
0x35: {  	v43 =	vld.idx.msk [tilespmem:v36+s7+$0x0], $0xffff  }
0x36: {  	v44 =	vld.idx.msk [tilespmem:v44+s2+$0x0], $0xffff;
	_ =	sdelay $0x3  }
0x37: {  	vm1 =	vlt.s32 v43, $0x0;
	vm2 =	vlt.f32 v39, v40  }
0x38: {  	vm3 =	vgt.f32 v44, v3;
	vm1 =	vmor vm2, vm1  }
0x39: {  	vm1 =	vmand vm3, vm1  }
0x3a: {  	vm1 =	vmand vm1, vm0;
	_ =	sdelay $0x5  }
0x3b: {  	v43 =	vimm.s32 $0x0;
	[tilespmem:v36+s8+$0x0] =	vst.idx.msk vm1, v39  }
0x3c: {  	[tilespmem:v36+s7+$0x0] =	vst.idx.msk vm1, v43  }
0x3d: {  	v36 =	vld.idx.msk [tilespmem:v5+s2+$0x0], $0xffff;
	_ =	sdelay $0x4  }
0x3e: {  	v36 =	vtrunc.f32 v36  }
0x3f: {  	v36 =	vcvt.f32.s32 v36;
	_ =	sdelay $0x2  }
0x40: {  	v44 =	vimm.s32 $0x98;
	_ =	sdelay $0x1  }
0x41: {  	v39 =	vld.idx.msk [tilespmem:v6+s2+$0x0], $0xffff  }
0x42: {  	v40 =	vld.idx.msk [tilespmem:v36+s8+$0x0], $0xffff  }
0x43: {  	v43 =	vld.idx.msk [tilespmem:v36+s7+$0x0], $0xffff  }
0x44: {  	v44 =	vld.idx.msk [tilespmem:v44+s2+$0x0], $0xffff;
	_ =	sdelay $0x3  }
0x45: {  	vm1 =	vlt.s32 v43, $0x0;
	vm2 =	vlt.f32 v39, v40  }
0x46: {  	vm3 =	vgt.f32 v44, v3;
	vm1 =	vmor vm2, vm1  }
0x47: {  	vm1 =	vmand vm3, vm1  }
0x48: {  	vm1 =	vmand vm1, vm0;
	_ =	sdelay $0x5  }
0x49: {  	v44 =	vimm.s32 $0x1;
	[tilespmem:v36+s8+$0x0] =	vst.idx.msk vm1, v39  }
0x4a: {  	[tilespmem:v36+s7+$0x0] =	vst.idx.msk vm1, v44  }
0x4b: {  	v36 =	vld.idx.msk [tilespmem:v9+s2+$0x0], $0xffff;
	_ =	sdelay $0x4  }
0x4c: {  	v36 =	vtrunc.f32 v36  }
0x4d: {  	v36 =	vcvt.f32.s32 v36;
	_ =	sdelay $0x2  }
0x4e: {  	v44 =	vimm.s32 $0x118;
	_ =	sdelay $0x1  }
0x4f: {  	v39 =	vld.idx.msk [tilespmem:v10+s2+$0x0], $0xffff  }
0x50: {  	v40 =	vld.idx.msk [tilespmem:v36+s8+$0x0], $0xffff  }
0x51: {  	v43 =	vld.idx.msk [tilespmem:v36+s7+$0x0], $0xffff  }
0x52: {  	v44 =	vld.idx.msk [tilespmem:v44+s2+$0x0], $0xffff;
	_ =	sdelay $0x3  }
0x53: {  	vm1 =	vlt.s32 v43, $0x0;
	vm2 =	vlt.f32 v39, v40  }
0x54: {  	vm3 =	vgt.f32 v44, v3;
	vm1 =	vmor vm2, vm1  }
0x55: {  	vm1 =	vmand vm3, vm1  }
0x56: {  	vm1 =	vmand vm1, vm0;
	_ =	sdelay $0x5  }
0x57: {  	v43 =	vimm.s32 $0x2;
	[tilespmem:v36+s8+$0x0] =	vst.idx.msk vm1, v39  }
0x58: {  	[tilespmem:v36+s7+$0x0] =	vst.idx.msk vm1, v43  }
0x59: {  	v36 =	vld.idx.msk [tilespmem:v13+s2+$0x0], $0xffff;
	_ =	sdelay $0x4  }
0x5a: {  	v36 =	vtrunc.f32 v36  }
0x5b: {  	v36 =	vcvt.f32.s32 v36;
	_ =	sdelay $0x2  }
0x5c: {  	v44 =	vimm.s32 $0x198;
	_ =	sdelay $0x1  }
0x5d: {  	v39 =	vld.idx.msk [tilespmem:v14+s2+$0x0], $0xffff  }
0x5e: {  	v40 =	vld.idx.msk [tilespmem:v36+s8+$0x0], $0xffff  }
0x5f: {  	v43 =	vld.idx.msk [tilespmem:v36+s7+$0x0], $0xffff  }
0x60: {  	v44 =	vld.idx.msk [tilespmem:v44+s2+$0x0], $0xffff;
	_ =	sdelay $0x3  }
0x61: {  	vm1 =	vlt.s32 v43, $0x0;
	vm2 =	vlt.f32 v39, v40  }
0x62: {  	vm3 =	vgt.f32 v44, v3;
	vm1 =	vmor vm2, vm1  }
0x63: {  	vm1 =	vmand vm3, vm1  }
0x64: {  	vm1 =	vmand vm1, vm0;
	_ =	sdelay $0x5  }
0x65: {  	v44 =	vimm.s32 $0x3;
	[tilespmem:v36+s8+$0x0] =	vst.idx.msk vm1, v39  }
0x66: {  	[tilespmem:v36+s7+$0x0] =	vst.idx.msk vm1, v44  }
0x67: {  	v36 =	vld.idx.msk [tilespmem:v17+s2+$0x0], $0xffff;
	_ =	sdelay $0x4  }
0x68: {  	v36 =	vtrunc.f32 v36  }
0x69: {  	v36 =	vcvt.f32.s32 v36;
	_ =	sdelay $0x2  }
0x6a: {  	v44 =	vimm.s32 $0x218;
	_ =	sdelay $0x1  }
0x6b: {  	v39 =	vld.idx.msk [tilespmem:v18+s2+$0x0], $0xffff  }
0x6c: {  	v40 =	vld.idx.msk [tilespmem:v36+s8+$0x0], $0xffff  }
0x6d: {  	v43 =	vld.idx.msk [tilespmem:v36+s7+$0x0], $0xffff  }
0x6e: {  	v44 =	vld.idx.msk [tilespmem:v44+s2+$0x0], $0xffff;
	_ =	sdelay $0x3  }
0x6f: {  	vm1 =	vlt.s32 v43, $0x0;
	vm2 =	vlt.f32 v39, v40  }
0x70: {  	vm3 =	vgt.f32 v44, v3;
	vm1 =	vmor vm2, vm1  }
0x71: {  	vm1 =	vmand vm3, vm1  }
0x72: {  	vm1 =	vmand vm1, vm0;
	_ =	sdelay $0x5  }
0x73: {  	v43 =	vimm.s32 $0x4;
	[tilespmem:v36+s8+$0x0] =	vst.idx.msk vm1, v39  }
0x74: {  	[tilespmem:v36+s7+$0x0] =	vst.idx.msk vm1, v43  }
0x75: {  	v36 =	vld.idx.msk [tilespmem:v21+s2+$0x0], $0xffff;
	_ =	sdelay $0x4  }
0x76: {  	v36 =	vtrunc.f32 v36  }
0x77: {  	v36 =	vcvt.f32.s32 v36;
	_ =	sdelay $0x2  }
0x78: {  	v44 =	vimm.s32 $0x298;
	_ =	sdelay $0x1  }
0x79: {  	v39 =	vld.idx.msk [tilespmem:v22+s2+$0x0], $0xffff  }
0x7a: {  	v40 =	vld.idx.msk [tilespmem:v36+s8+$0x0], $0xffff  }
0x7b: {  	v43 =	vld.idx.msk [tilespmem:v36+s7+$0x0], $0xffff  }
0x7c: {  	v44 =	vld.idx.msk [tilespmem:v44+s2+$0x0], $0xffff;
	_ =	sdelay $0x3  }
0x7d: {  	vm1 =	vlt.s32 v43, $0x0;
	vm2 =	vlt.f32 v39, v40  }
0x7e: {  	vm3 =	vgt.f32 v44, v3;
	vm1 =	vmor vm2, vm1  }
0x7f: {  	vm1 =	vmand vm3, vm1  }
0x80: {  	vm1 =	vmand vm1, vm0;
	_ =	sdelay $0x5  }
0x81: {  	v44 =	vimm.s32 $0x5;
	[tilespmem:v36+s8+$0x0] =	vst.idx.msk vm1, v39  }
0x82: {  	[tilespmem:v36+s7+$0x0] =	vst.idx.msk vm1, v44  }
0x83: {  	v36 =	vld.idx.msk [tilespmem:v25+s2+$0x0], $0xffff;
	_ =	sdelay $0x4  }
0x84: {  	v36 =	vtrunc.f32 v36  }
0x85: {  	v36 =	vcvt.f32.s32 v36;
	_ =	sdelay $0x2  }
0x86: {  	v44 =	vimm.s32 $0x318;
	_ =	sdelay $0x1  }
0x87: {  	v39 =	vld.idx.msk [tilespmem:v26+s2+$0x0], $0xffff  }
0x88: {  	v40 =	vld.idx.msk [tilespmem:v36+s8+$0x0], $0xffff  }
0x89: {  	v43 =	vld.idx.msk [tilespmem:v36+s7+$0x0], $0xffff  }
0x8a: {  	v44 =	vld.idx.msk [tilespmem:v44+s2+$0x0], $0xffff;
	_ =	sdelay $0x3  }
0x8b: {  	vm1 =	vlt.s32 v43, $0x0;
	vm2 =	vlt.f32 v39, v40  }
0x8c: {  	vm3 =	vgt.f32 v44, v3;
	vm1 =	vmor vm2, vm1  }
0x8d: {  	vm1 =	vmand vm3, vm1  }
0x8e: {  	vm1 =	vmand vm1, vm0;
	_ =	sdelay $0x5  }
0x8f: {  	v43 =	vimm.s32 $0x6;
	[tilespmem:v36+s8+$0x0] =	vst.idx.msk vm1, v39  }
0x90: {  	[tilespmem:v36+s7+$0x0] =	vst.idx.msk vm1, v43  }
0x91: {  	v36 =	vld.idx.msk [tilespmem:v29+s2+$0x0], $0xffff;
	_ =	sdelay $0x4  }
0x92: {  	v36 =	vtrunc.f32 v36  }
0x93: {  	v36 =	vcvt.f32.s32 v36;
	_ =	sdelay $0x2  }
0x94: {  	v44 =	vimm.s32 $0x398;
	_ =	sdelay $0x1  }
0x95: {  	v39 =	vld.idx.msk [tilespmem:v30+s2+$0x0], $0xffff  }
0x96: {  	v40 =	vld.idx.msk [tilespmem:v36+s8+$0x0], $0xffff  }
0x97: {  	v43 =	vld.idx.msk [tilespmem:v36+s7+$0x0], $0xffff  }
0x98: {  	v44 =	vld.idx.msk [tilespmem:v44+s2+$0x0], $0xffff;
	_ =	sdelay $0x3  }
0x99: {  	vm1 =	vlt.s32 v43, $0x0;
	vm2 =	vlt.f32 v39, v40  }
0x9a: {  	vm3 =	vgt.f32 v44, v3;
	vm1 =	vmor vm2, vm1  }
0x9b: {  	vm1 =	vmand vm3, vm1  }
0x9c: {  	vm1 =	vmand vm1, vm0;
	_ =	sdelay $0x5  }
0x9d: {  	v44 =	vimm.s32 $0x7;
	[tilespmem:v36+s8+$0x0] =	vst.idx.msk vm1, v39  }
0x9e: {  	[tilespmem:v36+s7+$0x0] =	vst.idx.msk vm1, v44  }
0x9f: {  	v36 =	vld.idx.msk [tilespmem:v33+s2+$0x0], $0xffff;
	_ =	sdelay $0x4  }
0xa0: {  	v36 =	vtrunc.f32 v36  }
0xa1: {  	v36 =	vcvt.f32.s32 v36;
	_ =	sdelay $0x2  }
0xa2: {  	v44 =	vimm.s32 $0x418;
	_ =	sdelay $0x1  }
0xa3: {  	v39 =	vld.idx.msk [tilespmem:v34+s2+$0x0], $0xffff  }
0xa4: {  	v40 =	vld.idx.msk [tilespmem:v36+s8+$0x0], $0xffff  }
0xa5: {  	v43 =	vld.idx.msk [tilespmem:v36+s7+$0x0], $0xffff  }
0xa6: {  	v44 =	vld.idx.msk [tilespmem:v44+s2+$0x0], $0xffff;
	_ =	sdelay $0x3  }
0xa7: {  	vm1 =	vlt.s32 v43, $0x0;
	vm2 =	vlt.f32 v39, v40  }
0xa8: {  	vm3 =	vgt.f32 v44, v3;
	vm1 =	vmor vm2, vm1  }
0xa9: {  	vm1 =	vmand vm3, vm1  }
0xaa: {  	vm1 =	vmand vm1, vm0;
	_ =	sdelay $0x5  }
0xab: {  	v43 =	vimm.s32 $0x8;
	[tilespmem:v36+s8+$0x0] =	vst.idx.msk vm1, v39  }
0xac: {  	[tilespmem:v36+s7+$0x0] =	vst.idx.msk vm1, v43  }
0xad: {  	v36 =	vld.idx.msk [tilespmem:v37+s2+$0x0], $0xffff;
	_ =	sdelay $0x4  }
0xae: {  	v36 =	vtrunc.f32 v36  }
0xaf: {  	v36 =	vcvt.f32.s32 v36;
	_ =	sdelay $0x2  }
0xb0: {  	v44 =	vimm.s32 $0x498;
	_ =	sdelay $0x1  }
0xb1: {  	v39 =	vld.idx.msk [tilespmem:v38+s2+$0x0], $0xffff  }
0xb2: {  	v40 =	vld.idx.msk [tilespmem:v36+s8+$0x0], $0xffff  }
0xb3: {  	v43 =	vld.idx.msk [tilespmem:v36+s7+$0x0], $0xffff  }
0xb4: {  	v44 =	vld.idx.msk [tilespmem:v44+s2+$0x0], $0xffff;
	_ =	sdelay $0x3  }
0xb5: {  	vm1 =	vlt.s32 v43, $0x0;
	vm2 =	vlt.f32 v39, v40  }
0xb6: {  	vm3 =	vgt.f32 v44, v3;
	vm1 =	vmor vm2, vm1  }
0xb7: {  	vm1 =	vmand vm3, vm1  }
0xb8: {  	vm1 =	vmand vm1, vm0;
	_ =	sdelay $0x5  }
0xb9: {  	v44 =	vimm.s32 $0x9;
	[tilespmem:v36+s8+$0x0] =	vst.idx.msk vm1, v39  }
0xba: {  	[tilespmem:v36+s7+$0x0] =	vst.idx.msk vm1, v44  }
0xbb: {  	v36 =	vld.idx.msk [tilespmem:v41+s2+$0x0], $0xffff;
	_ =	sdelay $0x4  }
0xbc: {  	v36 =	vtrunc.f32 v36  }
0xbd: {  	v36 =	vcvt.f32.s32 v36;
	_ =	sdelay $0x2  }
0xbe: {  	v44 =	vimm.s32 $0x518;
	_ =	sdelay $0x1  }
0xbf: {  	v39 =	vld.idx.msk [tilespmem:v42+s2+$0x0], $0xffff  }
0xc0: {  	v40 =	vld.idx.msk [tilespmem:v36+s8+$0x0], $0xffff  }
0xc1: {  	v43 =	vld.idx.msk [tilespmem:v36+s7+$0x0], $0xffff  }
0xc2: {  	v44 =	vld.idx.msk [tilespmem:v44+s2+$0x0], $0xffff;
	_ =	sdelay $0x3  }
0xc3: {  	vm1 =	vlt.s32 v43, $0x0;
	vm2 =	vlt.f32 v39, v40  }
0xc4: {  	vm3 =	vgt.f32 v44, v3;
	vm1 =	vmor vm2, vm1  }
0xc5: {  	vm1 =	vmand vm3, vm1  }
0xc6: {  	vm1 =	vmand vm1, vm0;
	_ =	sdelay $0x5  }
0xc7: {  	v43 =	vimm.s32 $0xA;
	[tilespmem:v36+s8+$0x0] =	vst.idx.msk vm1, v39  }
0xc8: {  	[tilespmem:v36+s7+$0x0] =	vst.idx.msk vm1, v43  }
0xc9: {  	v36 =	vld.idx.msk [tilespmem:v45+s2+$0x0], $0xffff;
	_ =	sdelay $0x4  }
0xca: {  	v36 =	vtrunc.f32 v36  }
0xcb: {  	v36 =	vcvt.f32.s32 v36;
	_ =	sdelay $0x4  }
0xcc: {  	v39 =	vld.idx.msk [tilespmem:v46+s2+$0x0], $0xffff  }
0xcd: {  	v40 =	vld.idx.msk [tilespmem:v36+s8+$0x0], $0xffff  }
0xce: {  	v43 =	vld.idx.msk [tilespmem:v36+s7+$0x0], $0xffff  }
0xcf: {  	v44 =	vld.idx.msk [tilespmem:v47+s2+$0x0], $0xffff;
	_ =	sdelay $0x3  }
0xd0: {  	vm1 =	vlt.s32 v43, $0x0;
	vm2 =	vlt.f32 v39, v40  }
0xd1: {  	vm3 =	vgt.f32 v44, v3;
	vm1 =	vmor vm2, vm1  }
0xd2: {  	vm1 =	vmand vm3, vm1  }
0xd3: {  	vm1 =	vmand vm1, vm0;
	_ =	sdelay $0x5  }
0xd4: {  	[tilespmem:v36+s8+$0x0] =	vst.idx.msk vm1, v39  }
0xd5: {  	[tilespmem:v36+s7+$0x0] =	vst.idx.msk vm1, v48  }
0xd6: {  	v36 =	vld.idx.msk [tilespmem:v49+s2+$0x0], $0xffff;
	_ =	sdelay $0x4  }
0xd7: {  	v36 =	vtrunc.f32 v36  }
0xd8: {  	v36 =	vcvt.f32.s32 v36;
	_ =	sdelay $0x4  }
0xd9: {  	v39 =	vld.idx.msk [tilespmem:v50+s2+$0x0], $0xffff  }
0xda: {  	v40 =	vld.idx.msk [tilespmem:v36+s8+$0x0], $0xffff  }
0xdb: {  	v43 =	vld.idx.msk [tilespmem:v36+s7+$0x0], $0xffff  }
0xdc: {  	v44 =	vld.idx.msk [tilespmem:v51+s2+$0x0], $0xffff;
	_ =	sdelay $0x3  }
0xdd: {  	vm1 =	vlt.s32 v43, $0x0;
	vm2 =	vlt.f32 v39, v40  }
0xde: {  	vm3 =	vgt.f32 v44, v3;
	vm1 =	vmor vm2, vm1  }
0xdf: {  	vm1 =	vmand vm3, vm1  }
0xe0: {  	vm1 =	vmand vm1, vm0;
	_ =	sdelay $0x5  }
0xe1: {  	[tilespmem:v36+s8+$0x0] =	vst.idx.msk vm1, v39  }
0xe2: {  	[tilespmem:v36+s7+$0x0] =	vst.idx.msk vm1, v52  }
0xe3: {  	v36 =	vld.idx.msk [tilespmem:v53+s2+$0x0], $0xffff;
	_ =	sdelay $0x4  }
0xe4: {  	v36 =	vtrunc.f32 v36  }
0xe5: {  	v36 =	vcvt.f32.s32 v36;
	_ =	sdelay $0x4  }
0xe6: {  	v39 =	vld.idx.msk [tilespmem:v54+s2+$0x0], $0xffff  }
0xe7: {  	v40 =	vld.idx.msk [tilespmem:v36+s8+$0x0], $0xffff  }
0xe8: {  	v43 =	vld.idx.msk [tilespmem:v36+s7+$0x0], $0xffff  }
0xe9: {  	v44 =	vld.idx.msk [tilespmem:v55+s2+$0x0], $0xffff;
	_ =	sdelay $0x3  }
0xea: {  	vm1 =	vlt.s32 v43, $0x0;
	vm2 =	vlt.f32 v39, v40  }
0xeb: {  	vm3 =	vgt.f32 v44, v3;
	vm1 =	vmor vm2, vm1  }
0xec: {  	vm1 =	vmand vm3, vm1  }
0xed: {  	vm1 =	vmand vm1, vm0;
	_ =	sdelay $0x5  }
0xee: {  	[tilespmem:v36+s8+$0x0] =	vst.idx.msk vm1, v39  }
0xef: {  	[tilespmem:v36+s7+$0x0] =	vst.idx.msk vm1, v56  }
0xf0: {  	v36 =	vld.idx.msk [tilespmem:v57+s2+$0x0], $0xffff;
	_ =	sdelay $0x4  }
0xf1: {  	v36 =	vtrunc.f32 v36  }
0xf2: {  	v36 =	vcvt.f32.s32 v36;
	_ =	sdelay $0x4  }
0xf3: {  	v39 =	vld.idx.msk [tilespmem:v58+s2+$0x0], $0xffff  }
0xf4: {  	v40 =	vld.idx.msk [tilespmem:v36+s8+$0x0], $0xffff  }
0xf5: {  	v43 =	vld.idx.msk [tilespmem:v36+s7+$0x0], $0xffff  }
0xf6: {  	v44 =	vld.idx.msk [tilespmem:v59+s2+$0x0], $0xffff;
	_ =	sdelay $0x3  }
0xf7: {  	vm1 =	vlt.s32 v43, $0x0;
	vm2 =	vlt.f32 v39, v40  }
0xf8: {  	vm3 =	vgt.f32 v44, v3;
	vm1 =	vmor vm2, vm1  }
0xf9: {  	vm1 =	vmand vm3, vm1  }
0xfa: {  	vm1 =	vmand vm1, vm0;
	_ =	sdelay $0x5  }
0xfb: {  	[tilespmem:v36+s8+$0x0] =	vst.idx.msk vm1, v39  }
0xfc: {  	[tilespmem:v36+s7+$0x0] =	vst.idx.msk vm1, v60  }
0xfd: {  	v36 =	vld.idx.msk [tilespmem:v61+s2+$0x0], $0xffff;
	_ =	sdelay $0x4  }
0xfe: {  	v36 =	vtrunc.f32 v36  }
0xff: {  	v36 =	vcvt.f32.s32 v36;
	_ =	sdelay $0x4  }
0x100: {  	v39 =	vld.idx.msk [tilespmem:v62+s2+$0x0], $0xffff  }
0x101: {  	v40 =	vld.idx.msk [tilespmem:v36+s8+$0x0], $0xffff  }
0x102: {  	v43 =	vld.idx.msk [tilespmem:v36+s7+$0x0], $0xffff  }
0x103: {  	v44 =	vld.idx.msk [tilespmem:v63+s2+$0x0], $0xffff;
	_ =	sdelay $0x3  }
0x104: {  	vm1 =	vlt.s32 v43, $0x0;
	vm2 =	vlt.f32 v39, v40  }
0x105: {  	vm3 =	vgt.f32 v44, v3;
	vm1 =	vmor vm2, vm1  }
0x106: {  	vm1 =	vmand vm3, vm1  }
0x107: {  	vm1 =	vmand vm1, vm0;
	_ =	sdelay $0x2  }
0x108: {  	v44 =	vor.u32 $0x800, v0;
	_ =	sdelay $0x2  }
0x109: {  	[tilespmem:v36+s8+$0x0] =	vst.idx.msk vm1, v39  }
0x10a: {  	[tilespmem:v36+s7+$0x0] =	vst.idx.msk vm1, v2  }
0x10b: {  	v36 =	vld.idx.msk [tilespmem:v44+s2+$0x0], $0xffff;
	_ =	sdelay $0x4  }
0x10c: {  	v36 =	vtrunc.f32 v36  }
0x10d: {  	v43 =	vor.u32 $0x804, v0;
	v36 =	vcvt.f32.s32 v36;
	_ =	sdelay $0x4  }
0x10e: {  	v39 =	vld.idx.msk [tilespmem:v43+s2+$0x0], $0xffff  }
0x10f: {  	v40 =	vld.idx.msk [tilespmem:v36+s8+$0x0], $0xffff  }
0x110: {  	v43 =	vld.idx.msk [tilespmem:v36+s7+$0x0], $0xffff  }
0x111: {  	v44 =	vld.idx.msk [tilespmem:v4+s2+$0x0], $0xffff;
	_ =	sdelay $0x3  }
0x112: {  	vm1 =	vlt.s32 v43, $0x0;
	vm2 =	vlt.f32 v39, v40  }
0x113: {  	vm3 =	vgt.f32 v44, v3;
	vm1 =	vmor vm2, vm1  }
0x114: {  	vm1 =	vmand vm3, vm1  }
0x115: {  	vm1 =	vmand vm1, vm0;
	_ =	sdelay $0x2  }
0x116: {  	v44 =	vor.u32 $0x880, v0;
	_ =	sdelay $0x2  }
0x117: {  	[tilespmem:v36+s8+$0x0] =	vst.idx.msk vm1, v39  }
0x118: {  	[tilespmem:v36+s7+$0x0] =	vst.idx.msk vm1, v7  }
0x119: {  	v36 =	vld.idx.msk [tilespmem:v44+s2+$0x0], $0xffff;
	_ =	sdelay $0x4  }
0x11a: {  	v36 =	vtrunc.f32 v36  }
0x11b: {  	v43 =	vor.u32 $0x884, v0;
	v36 =	vcvt.f32.s32 v36;
	_ =	sdelay $0x4  }
0x11c: {  	v39 =	vld.idx.msk [tilespmem:v43+s2+$0x0], $0xffff  }
0x11d: {  	v40 =	vld.idx.msk [tilespmem:v36+s8+$0x0], $0xffff  }
0x11e: {  	v43 =	vld.idx.msk [tilespmem:v36+s7+$0x0], $0xffff  }
0x11f: {  	v44 =	vld.idx.msk [tilespmem:v8+s2+$0x0], $0xffff;
	_ =	sdelay $0x3  }
0x120: {  	vm1 =	vlt.s32 v43, $0x0;
	vm2 =	vlt.f32 v39, v40  }
0x121: {  	vm3 =	vgt.f32 v44, v3;
	vm1 =	vmor vm2, vm1  }
0x122: {  	vm1 =	vmand vm3, vm1  }
0x123: {  	vm1 =	vmand vm1, vm0;
	_ =	sdelay $0x2  }
0x124: {  	v44 =	vor.u32 $0x900, v0;
	_ =	sdelay $0x2  }
0x125: {  	[tilespmem:v36+s8+$0x0] =	vst.idx.msk vm1, v39  }
0x126: {  	[tilespmem:v36+s7+$0x0] =	vst.idx.msk vm1, v11  }
0x127: {  	v36 =	vld.idx.msk [tilespmem:v44+s2+$0x0], $0xffff;
	_ =	sdelay $0x4  }
0x128: {  	v36 =	vtrunc.f32 v36  }
0x129: {  	v43 =	vor.u32 $0x904, v0;
	v36 =	vcvt.f32.s32 v36;
	_ =	sdelay $0x4  }
0x12a: {  	v39 =	vld.idx.msk [tilespmem:v43+s2+$0x0], $0xffff  }
0x12b: {  	v40 =	vld.idx.msk [tilespmem:v36+s8+$0x0], $0xffff  }
0x12c: {  	v43 =	vld.idx.msk [tilespmem:v36+s7+$0x0], $0xffff  }
0x12d: {  	v44 =	vld.idx.msk [tilespmem:v12+s2+$0x0], $0xffff;
	_ =	sdelay $0x3  }
0x12e: {  	vm1 =	vlt.s32 v43, $0x0;
	vm2 =	vlt.f32 v39, v40  }
0x12f: {  	vm3 =	vgt.f32 v44, v3;
	vm1 =	vmor vm2, vm1  }
0x130: {  	vm1 =	vmand vm3, vm1  }
0x131: {  	vm1 =	vmand vm1, vm0;
	_ =	sdelay $0x2  }
0x132: {  	v44 =	vor.u32 $0x980, v0;
	_ =	sdelay $0x2  }
0x133: {  	[tilespmem:v36+s8+$0x0] =	vst.idx.msk vm1, v39  }
0x134: {  	[tilespmem:v36+s7+$0x0] =	vst.idx.msk vm1, v15  }
0x135: {  	v36 =	vld.idx.msk [tilespmem:v44+s2+$0x0], $0xffff;
	_ =	sdelay $0x4  }
0x136: {  	v36 =	vtrunc.f32 v36  }
0x137: {  	v43 =	vor.u32 $0x984, v0;
	v36 =	vcvt.f32.s32 v36;
	_ =	sdelay $0x4  }
0x138: {  	v39 =	vld.idx.msk [tilespmem:v43+s2+$0x0], $0xffff  }
0x139: {  	v40 =	vld.idx.msk [tilespmem:v36+s8+$0x0], $0xffff  }
0x13a: {  	v43 =	vld.idx.msk [tilespmem:v36+s7+$0x0], $0xffff  }
0x13b: {  	v44 =	vld.idx.msk [tilespmem:v16+s2+$0x0], $0xffff;
	_ =	sdelay $0x3  }
0x13c: {  	vm1 =	vlt.s32 v43, $0x0;
	vm2 =	vlt.f32 v39, v40  }
0x13d: {  	vm3 =	vgt.f32 v44, v3;
	vm1 =	vmor vm2, vm1  }
0x13e: {  	vm1 =	vmand vm3, vm1  }
0x13f: {  	vm1 =	vmand vm1, vm0;
	_ =	sdelay $0x2  }
0x140: {  	v44 =	vor.u32 $0xA00, v0;
	_ =	sdelay $0x2  }
0x141: {  	[tilespmem:v36+s8+$0x0] =	vst.idx.msk vm1, v39  }
0x142: {  	[tilespmem:v36+s7+$0x0] =	vst.idx.msk vm1, v19  }
0x143: {  	v36 =	vld.idx.msk [tilespmem:v44+s2+$0x0], $0xffff;
	_ =	sdelay $0x4  }
0x144: {  	v36 =	vtrunc.f32 v36  }
0x145: {  	v43 =	vor.u32 $0xA04, v0;
	v36 =	vcvt.f32.s32 v36;
	_ =	sdelay $0x4  }
0x146: {  	v39 =	vld.idx.msk [tilespmem:v43+s2+$0x0], $0xffff  }
0x147: {  	v40 =	vld.idx.msk [tilespmem:v36+s8+$0x0], $0xffff  }
0x148: {  	v43 =	vld.idx.msk [tilespmem:v36+s7+$0x0], $0xffff  }
0x149: {  	v44 =	vld.idx.msk [tilespmem:v20+s2+$0x0], $0xffff;
	_ =	sdelay $0x3  }
0x14a: {  	vm1 =	vlt.s32 v43, $0x0;
	vm2 =	vlt.f32 v39, v40  }
0x14b: {  	vm3 =	vgt.f32 v44, v3;
	vm1 =	vmor vm2, vm1  }
0x14c: {  	vm1 =	vmand vm3, vm1  }
0x14d: {  	vm1 =	vmand vm1, vm0;
	_ =	sdelay $0x2  }
0x14e: {  	v44 =	vor.u32 $0xA80, v0;
	_ =	sdelay $0x2  }
0x14f: {  	[tilespmem:v36+s8+$0x0] =	vst.idx.msk vm1, v39  }
0x150: {  	[tilespmem:v36+s7+$0x0] =	vst.idx.msk vm1, v23  }
0x151: {  	v36 =	vld.idx.msk [tilespmem:v44+s2+$0x0], $0xffff;
	_ =	sdelay $0x4  }
0x152: {  	v36 =	vtrunc.f32 v36  }
0x153: {  	v43 =	vor.u32 $0xA84, v0;
	v36 =	vcvt.f32.s32 v36;
	_ =	sdelay $0x4  }
0x154: {  	v39 =	vld.idx.msk [tilespmem:v43+s2+$0x0], $0xffff  }
0x155: {  	v40 =	vld.idx.msk [tilespmem:v36+s8+$0x0], $0xffff  }
0x156: {  	v43 =	vld.idx.msk [tilespmem:v36+s7+$0x0], $0xffff  }
0x157: {  	v44 =	vld.idx.msk [tilespmem:v24+s2+$0x0], $0xffff;
	_ =	sdelay $0x3  }
0x158: {  	vm1 =	vlt.s32 v43, $0x0;
	vm2 =	vlt.f32 v39, v40  }
0x159: {  	vm3 =	vgt.f32 v44, v3;
	vm1 =	vmor vm2, vm1  }
0x15a: {  	vm1 =	vmand vm3, vm1  }
0x15b: {  	vm1 =	vmand vm1, vm0;
	_ =	sdelay $0x2  }
0x15c: {  	v44 =	vor.u32 $0xB00, v0;
	_ =	sdelay $0x2  }
0x15d: {  	[tilespmem:v36+s8+$0x0] =	vst.idx.msk vm1, v39  }
0x15e: {  	[tilespmem:v36+s7+$0x0] =	vst.idx.msk vm1, v27  }
0x15f: {  	v36 =	vld.idx.msk [tilespmem:v44+s2+$0x0], $0xffff;
	_ =	sdelay $0x4  }
0x160: {  	v36 =	vtrunc.f32 v36  }
0x161: {  	v43 =	vor.u32 $0xB04, v0;
	v36 =	vcvt.f32.s32 v36;
	_ =	sdelay $0x4  }
0x162: {  	v39 =	vld.idx.msk [tilespmem:v43+s2+$0x0], $0xffff  }
0x163: {  	v40 =	vld.idx.msk [tilespmem:v36+s8+$0x0], $0xffff  }
0x164: {  	v43 =	vld.idx.msk [tilespmem:v36+s7+$0x0], $0xffff  }
0x165: {  	v44 =	vld.idx.msk [tilespmem:v28+s2+$0x0], $0xffff;
	_ =	sdelay $0x3  }
0x166: {  	vm1 =	vlt.s32 v43, $0x0;
	vm2 =	vlt.f32 v39, v40  }
0x167: {  	vm3 =	vgt.f32 v44, v3;
	vm1 =	vmor vm2, vm1  }
0x168: {  	vm1 =	vmand vm3, vm1  }
0x169: {  	vm1 =	vmand vm1, vm0;
	_ =	sdelay $0x2  }
0x16a: {  	v44 =	vor.u32 $0xB80, v0;
	_ =	sdelay $0x2  }
0x16b: {  	[tilespmem:v36+s8+$0x0] =	vst.idx.msk vm1, v39  }
0x16c: {  	[tilespmem:v36+s7+$0x0] =	vst.idx.msk vm1, v31  }
0x16d: {  	v36 =	vld.idx.msk [tilespmem:v44+s2+$0x0], $0xffff;
	_ =	sdelay $0x4  }
0x16e: {  	v36 =	vtrunc.f32 v36  }
0x16f: {  	v44 =	vor.u32 $0xB84, v0;
	v36 =	vcvt.f32.s32 v36;
	_ =	sdelay $0x4  }
0x170: {  	v39 =	vld.idx.msk [tilespmem:v44+s2+$0x0], $0xffff  }
0x171: {  	v40 =	vld.idx.msk [tilespmem:v36+s8+$0x0], $0xffff  }
0x172: {  	v43 =	vld.idx.msk [tilespmem:v36+s7+$0x0], $0xffff  }
0x173: {  	v44 =	vld.idx.msk [tilespmem:v32+s2+$0x0], $0xffff;
	_ =	sdelay $0x3  }
0x174: {  	vm1 =	vlt.s32 v43, $0x0;
	vm2 =	vlt.f32 v39, v40  }
0x175: {  	vm3 =	vgt.f32 v44, v3;
	vm1 =	vmor vm2, vm1  }
0x176: {  	vm1 =	vmand vm3, vm1  }
0x177: {  	vm1 =	vmand vm1, vm0;
	_ =	sdelay $0x5  }
0x178: {  	p1 =	sne.s32 s5, $0x1;
	[tilespmem:v36+s8+$0x0] =	vst.idx.msk vm1, v39  }
.Ltmp1:
0x179: {  	[tilespmem:v36+s7+$0x0] =	vst.idx.msk vm1, v35;
	(pc) =	sbr.rel @p1 .LBB2_2-.Ltmp1, $4  }
0x17a: {  	[hbm4b:s3+s9] =	stream.strided.scatter [tilespmem:s7], [sflag:$0x1], $0x1400, s10, s9, $0x38;
	[tilespmem:$0x3400] =	vst v63  }
0x17b: {  	_ =	swait.ge [sflag:s6], $0x1400  }
0x17c: {  	[sflag:s6] =	ssyncset.done $0x0  }
0x17d: {  	s5 =	sadd.s32 $0xFFFFFFFF, s5;
	[sflag:s6] =	ssyncadd.s32 $0xFFFFEC00  }
.LBB2_3:
0x17e: {  	_ =	sfence.sel $0x180000  }
0x17f: {  	[bflag:$0x0] =	sbarrier.arrive $0xFFFF  }
0x180: {  	_ =	strace $0x90000047  }
0x181: {  	s0 =	sadd.s32 @!p0 $0x100000, s0;
	[bflag:$0x2] =	sbarrier.arrive $0xFFFF  }
0x182: {  	[sflag:s0] =	ssyncadd.tile.s32 @!p0 $0x1;
	_ =	shalt  }
.Lfunc_end2:
_tile_overlayer_lowered:
.L_overlay_start_2:
0x183: {  	(tag) =	ssettag $0x2  }
0x184: {  	s0 =	rddreg [dreg:$0x0];
	s2 =	stileid.u32  }
0x185: {  	s1 =	rddreg [dreg:$0x1];
	p0 =	sne.s32 s2, $0x0  }
0x186: {  	s3 =	rddreg [dreg:$0x2];
	[bflag:$0x3] =	sbarrier.arrive $0xFFFF;
	s2 =	simm.s32 @!p0 $0x1C01  }
0x187: {  	[timem:s3], [sflag:s2] =	dma.local @!p0 [hbm:s0], s1  }
0x188: {  	s0 =	simm.s32 @!p0 $0x1  }
0x189: {  	_ =	swait.ge @!p0 [sflag:s0], s1  }
0x18a: {  	s1 =	ssub.s32 @!p0 $0x0, s1;
	[sflag:s0] =	ssyncset.done @!p0 $0x0  }
0x18b: {  	[sflag:s0] =	ssyncadd.s32 @!p0 s1  }
0x18c: {  	[bflag:$0x3] =	sbarrier.arrive $0xFFFF  }
0x18d: {  	_ =	shalt  }

</sc_bundles>
